<compile_context>
chip_gen: v7x
topology: tpu7x:2x2x1
jax: 0.10.2.dev20260603
libtpu: 0.0.44.dev20260713+nightly
codegen_flags: <defaults>
</compile_context>

<pallas_src>
import functools

import jax
import jax.numpy as jnp
from jax import lax
from jax.experimental import pallas as pl
from jax.experimental.pallas import tpu as pltpu
from jax.experimental.pallas import tpu_sc as plsc

N_NODES = 10000
N_EDGES = 320000
D_FEAT = 128
N_CLASSES = 10

NC = 2
NS = 16
NW = NC * NS
CHUNK = 80
EPW = N_EDGES // NW
NCHUNK = EPW // CHUNK
IBLK = 25
NBLK = NCHUNK // IBLK
N_ACC = N_NODES
NPAIR = D_FEAT // 2
DUMP_ROWS = 624
DUMP_LAST = N_NODES - 15 * DUMP_ROWS


def _sc_aggregate(x, xi, srcs, dsts):
    mesh = plsc.VectorSubcoreMesh(core_axis_name="c", subcore_axis_name="s")

    @functools.partial(
        pl.kernel,
        out_type=jax.ShapeDtypeStruct((NC, N_NODES, D_FEAT), jnp.float32),
        mesh=mesh,
        scratch_types=[
            pltpu.VMEM((EPW,), jnp.int32),
            pltpu.VMEM((IBLK, 1, CHUNK), jnp.int32),
            pltpu.VMEM((CHUNK, NPAIR), jnp.int32),
            pltpu.VMEM((CHUNK, NPAIR), jnp.int32),
            pltpu.VMEM((CHUNK, D_FEAT), jnp.float32),
            pltpu.VMEM((CHUNK, D_FEAT), jnp.float32),
            pltpu.VMEM_SHARED((N_ACC, D_FEAT), jnp.float32),
            pltpu.SemaphoreType.DMA,
            pltpu.SemaphoreType.DMA,
            pltpu.SemaphoreType.DMA,
            pltpu.SemaphoreType.DMA,
        ],
        compiler_params=pltpu.CompilerParams(use_tc_tiling_on_sc=False),
    )
    def sc_agg(x_hbm, xi_hbm, src_hbm, dst_hbm, out_hbm, src_v, dst_v,
               bf_a, bf_b, f_a, f_b, acc_sh, g_a, g_b, s_a, s_b):
        cid = lax.axis_index("c")
        sid = lax.axis_index("s")
        wid = cid * NS + sid

        @pl.when(sid < 15)
        def _():
            pltpu.sync_copy(x_hbm.at[pl.ds(sid * DUMP_ROWS, DUMP_ROWS)],
                            acc_sh.at[pl.ds(sid * DUMP_ROWS, DUMP_ROWS)])

        @pl.when(sid == 15)
        def _():
            pltpu.sync_copy(x_hbm.at[pl.ds(15 * DUMP_ROWS, DUMP_LAST)],
                            acc_sh.at[pl.ds(15 * DUMP_ROWS, DUMP_LAST)])

        pltpu.sync_copy(src_hbm.at[wid], src_v)
        plsc.subcore_barrier()

        def src_idx(gj):
            return src_v.at[pl.ds(gj * CHUNK, CHUNK)]

        def unpack_rows(bf, f):
            shift16 = jnp.full((16,), 16, jnp.int32)
            maskhi = jnp.full((16,), -65536, jnp.int32)

            @plsc.parallel_loop(0, CHUNK, step=1, unroll=8)
            def conv_row(r):
                for c in range(4):
                    v = bf[r, pl.ds(16 * c, 16)]
                    lo = lax.bitcast_convert_type(v << shift16, jnp.float32)
                    hi = lax.bitcast_convert_type(v & maskhi, jnp.float32)
                    f[r, pl.ds(32 * c, 16)] = lo
                    f[r, pl.ds(32 * c + 16, 16)] = hi

        def outer(b, carry):
            base = b * IBLK
            pltpu.sync_copy(dst_hbm.at[wid, b], dst_v)
            pltpu.async_copy(xi_hbm.at[src_idx(base)], bf_a, g_a)
            pltpu.async_copy(xi_hbm.at[src_idx(base + 1)], bf_b, g_b)

            def body(i, carry):
                j = 2 * i
                gj = base + j

                pltpu.make_async_copy(xi_hbm.at[src_idx(gj)], bf_a,
                                      g_a).wait()

                @pl.when(i > 0)
                def _():
                    pltpu.make_async_copy(f_a, acc_sh.at[dst_v.at[0, 0]],
                                          s_a).wait()

                unpack_rows(bf_a, f_a)

                @pl.when(j + 2 < IBLK)
                def _():
                    pltpu.async_copy(xi_hbm.at[src_idx(gj + 2)], bf_a, g_a)

                pltpu.async_copy(f_a, acc_sh.at[dst_v.at[j, 0]], s_a,
                                 add=True)

                @pl.when(j + 1 < IBLK)
                def _():
                    pltpu.make_async_copy(xi_hbm.at[src_idx(gj + 1)], bf_b,
                                          g_b).wait()

                    @pl.when(i > 0)
                    def _():
                        pltpu.make_async_copy(f_b, acc_sh.at[dst_v.at[0, 0]],
                                              s_b).wait()

                    unpack_rows(bf_b, f_b)

                    @pl.when(j + 3 < IBLK)
                    def _():
                        pltpu.async_copy(xi_hbm.at[src_idx(gj + 3)], bf_b,
                                         g_b)

                    pltpu.async_copy(f_b, acc_sh.at[dst_v.at[j + 1, 0]], s_b,
                                     add=True)

                return carry

            lax.fori_loop(0, (IBLK + 1) // 2, body, 0)
            pltpu.make_async_copy(f_a, acc_sh.at[dst_v.at[0, 0]], s_a).wait()
            pltpu.make_async_copy(f_b, acc_sh.at[dst_v.at[0, 0]], s_b).wait()
            return carry

        lax.fori_loop(0, NBLK, outer, 0)
        plsc.subcore_barrier()

        @pl.when(sid < 15)
        def _():
            pltpu.sync_copy(
                acc_sh.at[pl.ds(sid * DUMP_ROWS, DUMP_ROWS)],
                out_hbm.at[cid, pl.ds(sid * DUMP_ROWS, DUMP_ROWS)],
            )

        @pl.when(sid == 15)
        def _():
            pltpu.sync_copy(
                acc_sh.at[pl.ds(15 * DUMP_ROWS, DUMP_LAST)],
                out_hbm.at[cid, pl.ds(15 * DUMP_ROWS, DUMP_LAST)],
            )

    return sc_agg(x, xi, srcs, dsts)


def _tc_mlp(p0, p1, x, W1, b1, W2, b2):
    BN = 1000
    grid = (N_NODES // BN,)

    def body(p0_ref, p1_ref, x_ref, w1_ref, b1_ref, w2_ref, b2_ref, out_ref):
        s = p0_ref[...] + p1_ref[...] - x_ref[...]
        h = jnp.dot(s, w1_ref[...], preferred_element_type=jnp.float32)
        h = jnp.maximum(h + b1_ref[...], 0.0)
        out_ref[...] = (
            jnp.dot(h, w2_ref[...], preferred_element_type=jnp.float32)
            + b2_ref[...]
        )

    row_spec = pl.BlockSpec((BN, D_FEAT), lambda i: (i, 0))
    full = lambda shape: pl.BlockSpec(shape, lambda i: (0,) * len(shape))
    return pl.pallas_call(
        body,
        grid=grid,
        in_specs=[
            row_spec, row_spec, row_spec,
            full((D_FEAT, D_FEAT)), full((1, D_FEAT)),
            full((D_FEAT, N_CLASSES)), full((1, N_CLASSES)),
        ],
        out_specs=pl.BlockSpec((BN, N_CLASSES), lambda i: (i, 0)),
        out_shape=jax.ShapeDtypeStruct((N_NODES, N_CLASSES), jnp.float32),
    )(p0, p1, x, W1, b1, W2, b2)


def kernel(x, edge_index, W1, b1, W2, b2):
    xb = x.astype(jnp.bfloat16).reshape(N_NODES, 4, 2, 16)
    xb = jnp.transpose(xb, (0, 1, 3, 2))
    xi = jax.lax.bitcast_convert_type(xb, jnp.int32).reshape(N_NODES, NPAIR)

    srcs = edge_index[0].reshape(NW, EPW)
    dsts = edge_index[1].reshape(NW, NBLK, IBLK, 1, CHUNK)
    partials = _sc_aggregate(x, xi, srcs, dsts)
    return _tc_mlp(partials[0], partials[1], x, W1, b1.reshape(1, D_FEAT),
                   W2, b2.reshape(1, N_CLASSES))

# --- scband reference (transcript-rebuilt; emitter-appended) ---
"""Pipeline reference for scband-energy-21861383536984 (READ-ONLY COPY).

The authoritative reference and input builder live on the scoring server;
editing this copy changes nothing except your own understanding.
"""

import jax, jax.numpy as jnp
import numpy as np

N_NODES = 10000
N_EDGES = 320000
D_FEAT = 128
N_CLASSES = 10

def setup_inputs(seed: int = 0) -> dict:
    key = jax.random.key(seed)
    k1, k2, k3, k4, k5, k6 = jax.random.split(key, 6)
    x = jax.random.normal(k1, (N_NODES, D_FEAT), dtype=jnp.float32)
    edge_index = jax.random.randint(k2, (2, N_EDGES), 0, N_NODES, dtype=jnp.int32)
    W1 = jax.random.normal(k3, (D_FEAT, D_FEAT), dtype=jnp.float32) * (1.0 / np.sqrt(D_FEAT))
    b1 = jnp.zeros((D_FEAT,), dtype=jnp.float32)
    W2 = jax.random.normal(k4, (D_FEAT, N_CLASSES), dtype=jnp.float32) * (1.0 / np.sqrt(D_FEAT))
    b2 = jnp.zeros((N_CLASSES,), dtype=jnp.float32)
    return {"x": x, "edge_index": edge_index, "W1": W1, "b1": b1, "W2": W2, "b2": b2}

def reference(x, edge_index, W1, b1, W2, b2):
    # EnergyModel.classify: inner GNN f(x, edge_index, edge_weight=None)
    # One round of message passing: gather src features, scatter-add to dst,
    # then a 2-layer MLP head producing class logits (penultimate logits).
    src = edge_index[0]
    dst = edge_index[1]
    msgs = jnp.take(x, src, axis=0)                       # gather  [E, D]
    agg = jax.ops.segment_sum(msgs, dst, num_segments=N_NODES)  # scatter-add [N, D]
    h = jax.nn.relu((x + agg) @ W1 + b1)
    logits = h @ W2 + b2                                  # [N, C]
    # Energy.forward non-adapt path returns classify output (logits);
    # EnergyModel.forward (y=None) would return (logsumexp, logits).
    return logits

if __name__ == "__main__":
    import jax
    _d = setup_inputs()
    print(jax.jit(kernel)(*tuple(_d.values())))

</pallas_src>

<mosaic_0001>
#map = affine_map<(d0, d1) -> (0, 0)>
#map1 = affine_map<(d0, d1) -> (0, 0, 0, 0, 0)>
#map2 = affine_map<(d0, d1) -> (0, 0, 0)>
module attributes {stable_mosaic.version = 14 : i64} {
  func.func @sc_agg(%arg0: i32, %arg1: i32, %arg2: memref<10000x128xf32, #tpu.memory_space<hbm>>, %arg3: memref<10000x64xi32, #tpu.memory_space<hbm>>, %arg4: memref<32x10000xi32, #tpu.memory_space<hbm>>, %arg5: memref<32x5x25x1x80xi32, #tpu.memory_space<hbm>>, %arg6: memref<2x10000x128xf32, #tpu.memory_space<hbm>>, %arg7: memref<10000xi32, #tpu.memory_space<vmem>>, %arg8: memref<25x1x80xi32, #tpu.memory_space<vmem>>, %arg9: memref<80x64xi32, #tpu.memory_space<vmem>>, %arg10: memref<80x64xi32, #tpu.memory_space<vmem>>, %arg11: memref<80x128xf32, #tpu.memory_space<vmem>>, %arg12: memref<80x128xf32, #tpu.memory_space<vmem>>, %arg13: memref<10000x128xf32, #tpu.memory_space<vmem_shared>>, %arg14: memref<!tpu.dma_semaphore, #tpu.memory_space<semaphore_mem>>, %arg15: memref<!tpu.dma_semaphore, #tpu.memory_space<semaphore_mem>>, %arg16: memref<!tpu.dma_semaphore, #tpu.memory_space<semaphore_mem>>, %arg17: memref<!tpu.dma_semaphore, #tpu.memory_space<semaphore_mem>>) attributes {dimension_semantics = [#tpu.dimension_semantics<core_parallel>, #tpu.dimension_semantics<subcore_parallel>], iteration_bounds = array<i64: 2, 16>, scalar_prefetch = 0 : i64, scratch_operands = 11 : i64, tpu.core_type = #tpu.core_type<sc_vector_subcore>, window_params = [{transform_indices = #map}, {transform_indices = #map}, {transform_indices = #map}, {transform_indices = #map1}, {transform_indices = #map2}]} {
    %mul3A = arith.constant 16 : i32
    %mul3A_0 = arith.muli %arg0, %mul3A : i32
    %add3A = arith.addi %mul3A_0, %arg1 : i32
    %lt3A = arith.constant 15 : i32
    %lt3A_1 = arith.cmpi slt, %arg1, %lt3A : i32
    %convert_element_type3A = arith.extui %lt3A_1 : i1 to i32
    %cond3A = arith.constant 0 : i32
    %cond3A_2 = arith.cmpi ne, %convert_element_type3A, %cond3A : i32
    scf.if %cond3A_2 {
      %mul3A_23 = arith.constant 624 : i32
      %mul3A_24 = arith.muli %arg1, %mul3A_23 : i32
      %mul3A_25 = arith.constant 624 : i32
      %mul3A_26 = arith.muli %arg1, %mul3A_25 : i32
      "tpu.region"() ({
        %run_scoped3A = tpu.sem_alloc : memref<!tpu.dma_semaphore, #tpu.memory_space<semaphore_mem>>
        %dma_start3A = arith.constant 0 : i32
        %dma_start3A_27 = tpu.memref_slice %arg13[%mul3A_26, %dma_start3A] : memref<10000x128xf32, #tpu.memory_space<vmem_shared>> -> memref<624x128xf32, #tpu.memory_space<vmem_shared>>
        %dma_start3A_28 = arith.constant 0 : i32
        %dma_start3A_29 = tpu.memref_slice %arg2[%mul3A_24, %dma_start3A_28] : memref<10000x128xf32, #tpu.memory_space<hbm>> -> memref<624x128xf32, #tpu.memory_space<hbm>>
        tpu.enqueue_dma source(%dma_start3A_29 : memref<624x128xf32, #tpu.memory_space<hbm>>) target(%dma_start3A_27 : memref<624x128xf32, #tpu.memory_space<vmem_shared>>) target_semaphore(%run_scoped3A : memref<!tpu.dma_semaphore, #tpu.memory_space<semaphore_mem>>)
        %dma_wait3A = arith.constant 0 : i32
        %dma_wait3A_30 = tpu.memref_slice %arg13[%mul3A_26, %dma_wait3A] : memref<10000x128xf32, #tpu.memory_space<vmem_shared>> -> memref<624x128xf32, #tpu.memory_space<vmem_shared>>
        %dma_wait3A_31 = arith.constant 0 : i32
        %dma_wait3A_32 = tpu.memref_slice %arg2[%mul3A_24, %dma_wait3A_31] : memref<10000x128xf32, #tpu.memory_space<hbm>> -> memref<624x128xf32, #tpu.memory_space<hbm>>
        tpu.wait_dma2 semaphore(%run_scoped3A : memref<!tpu.dma_semaphore, #tpu.memory_space<semaphore_mem>>) src(%dma_wait3A_32 : memref<624x128xf32, #tpu.memory_space<hbm>>) dst(%dma_wait3A_30 : memref<624x128xf32, #tpu.memory_space<vmem_shared>>)
        tpu.yield
      }) : () -> ()
    } else {
    }
    %eq3A = arith.constant 15 : i32
    %eq3A_3 = arith.cmpi eq, %arg1, %eq3A : i32
    %convert_element_type3A_4 = arith.extui %eq3A_3 : i1 to i32
    %cond3A_5 = arith.constant 0 : i32
    %cond3A_6 = arith.cmpi ne, %convert_element_type3A_4, %cond3A_5 : i32
    scf.if %cond3A_6 {
      "tpu.region"() ({
        %run_scoped3A = tpu.sem_alloc : memref<!tpu.dma_semaphore, #tpu.memory_space<semaphore_mem>>
        %dma_start3A = arith.constant 9360 : i32
        %dma_start3A_23 = arith.constant 0 : i32
        %dma_start3A_24 = tpu.memref_slice %arg13[%dma_start3A, %dma_start3A_23] : memref<10000x128xf32, #tpu.memory_space<vmem_shared>> -> memref<640x128xf32, #tpu.memory_space<vmem_shared>>
        %dma_start3A_25 = arith.constant 9360 : i32
        %dma_start3A_26 = arith.constant 0 : i32
        %dma_start3A_27 = tpu.memref_slice %arg2[%dma_start3A_25, %dma_start3A_26] : memref<10000x128xf32, #tpu.memory_space<hbm>> -> memref<640x128xf32, #tpu.memory_space<hbm>>
        tpu.enqueue_dma source(%dma_start3A_27 : memref<640x128xf32, #tpu.memory_space<hbm>>) target(%dma_start3A_24 : memref<640x128xf32, #tpu.memory_space<vmem_shared>>) target_semaphore(%run_scoped3A : memref<!tpu.dma_semaphore, #tpu.memory_space<semaphore_mem>>)
        %dma_wait3A = arith.constant 9360 : i32
        %dma_wait3A_28 = arith.constant 0 : i32
        %dma_wait3A_29 = tpu.memref_slice %arg13[%dma_wait3A, %dma_wait3A_28] : memref<10000x128xf32, #tpu.memory_space<vmem_shared>> -> memref<640x128xf32, #tpu.memory_space<vmem_shared>>
        %dma_wait3A_30 = arith.constant 9360 : i32
        %dma_wait3A_31 = arith.constant 0 : i32
        %dma_wait3A_32 = tpu.memref_slice %arg2[%dma_wait3A_30, %dma_wait3A_31] : memref<10000x128xf32, #tpu.memory_space<hbm>> -> memref<640x128xf32, #tpu.memory_space<hbm>>
        tpu.wait_dma2 semaphore(%run_scoped3A : memref<!tpu.dma_semaphore, #tpu.memory_space<semaphore_mem>>) src(%dma_wait3A_32 : memref<640x128xf32, #tpu.memory_space<hbm>>) dst(%dma_wait3A_29 : memref<640x128xf32, #tpu.memory_space<vmem_shared>>)
        tpu.yield
      }) : () -> ()
    } else {
    }
    "tpu.region"() ({
      %run_scoped3A = tpu.sem_alloc : memref<!tpu.dma_semaphore, #tpu.memory_space<semaphore_mem>>
      %dma_start3A = arith.constant 0 : i32
      %dma_start3A_23 = tpu.memref_slice %arg4[%add3A, %dma_start3A] : memref<32x10000xi32, #tpu.memory_space<hbm>> -> memref<1x10000xi32, #tpu.memory_space<hbm>>
      %dma_start3A_24 = tpu.memref_squeeze %dma_start3A_23 : memref<1x10000xi32, #tpu.memory_space<hbm>> -> memref<10000xi32, #tpu.memory_space<hbm>>
      %dma_start3A_25 = arith.constant 0 : i32
      %dma_start3A_26 = tpu.memref_slice %arg4[%add3A, %dma_start3A_25] : memref<32x10000xi32, #tpu.memory_space<hbm>> -> memref<1x10000xi32, #tpu.memory_space<hbm>>
      %dma_start3A_27 = tpu.memref_squeeze %dma_start3A_26 : memref<1x10000xi32, #tpu.memory_space<hbm>> -> memref<10000xi32, #tpu.memory_space<hbm>>
      tpu.enqueue_dma source(%dma_start3A_27 : memref<10000xi32, #tpu.memory_space<hbm>>) target(%arg7 : memref<10000xi32, #tpu.memory_space<vmem>>) target_semaphore(%run_scoped3A : memref<!tpu.dma_semaphore, #tpu.memory_space<semaphore_mem>>)
      %dma_wait3A = arith.constant 0 : i32
      %dma_wait3A_28 = tpu.memref_slice %arg4[%add3A, %dma_wait3A] : memref<32x10000xi32, #tpu.memory_space<hbm>> -> memref<1x10000xi32, #tpu.memory_space<hbm>>
      %dma_wait3A_29 = tpu.memref_squeeze %dma_wait3A_28 : memref<1x10000xi32, #tpu.memory_space<hbm>> -> memref<10000xi32, #tpu.memory_space<hbm>>
      %dma_wait3A_30 = arith.constant 0 : i32
      %dma_wait3A_31 = tpu.memref_slice %arg4[%add3A, %dma_wait3A_30] : memref<32x10000xi32, #tpu.memory_space<hbm>> -> memref<1x10000xi32, #tpu.memory_space<hbm>>
      %dma_wait3A_32 = tpu.memref_squeeze %dma_wait3A_31 : memref<1x10000xi32, #tpu.memory_space<hbm>> -> memref<10000xi32, #tpu.memory_space<hbm>>
      tpu.wait_dma2 semaphore(%run_scoped3A : memref<!tpu.dma_semaphore, #tpu.memory_space<semaphore_mem>>) src(%dma_wait3A_32 : memref<10000xi32, #tpu.memory_space<hbm>>) dst(%arg7 : memref<10000xi32, #tpu.memory_space<vmem>>)
      tpu.yield
    }) : () -> ()
    %barrier3A = arith.constant 0 : index
    tpu.barrier barrier_id(%barrier3A)
    %scan3A = arith.constant 0 : i32
    %scan3A_7 = arith.constant 0 : i32
    %scan3A_8 = arith.constant 5 : i32
    %scan3A_9 = arith.addi %scan3A_7, %scan3A_8 : i32
    %scan3A_10 = arith.constant 1 : i32
    scf.for %scan3A_23 = %scan3A_7 to %scan3A_9 step %scan3A_10  : i32 {
      %mul3A_24 = arith.constant 25 : i32
      %mul3A_25 = arith.muli %scan3A_23, %mul3A_24 : i32
      "tpu.region"() ({
        %run_scoped3A = tpu.sem_alloc : memref<!tpu.dma_semaphore, #tpu.memory_space<semaphore_mem>>
        %dma_start3A_60 = arith.constant 0 : i32
        %dma_start3A_61 = arith.constant 0 : i32
        %dma_start3A_62 = arith.constant 0 : i32
        %dma_start3A_63 = tpu.memref_slice %arg5[%add3A, %scan3A_23, %dma_start3A_60, %dma_start3A_61, %dma_start3A_62] : memref<32x5x25x1x80xi32, #tpu.memory_space<hbm>> -> memref<1x1x25x1x80xi32, #tpu.memory_space<hbm>>
        %dma_start3A_64 = tpu.memref_squeeze %dma_start3A_63 : memref<1x1x25x1x80xi32, #tpu.memory_space<hbm>> -> memref<25x1x80xi32, #tpu.memory_space<hbm>>
        %dma_start3A_65 = arith.constant 0 : i32
        %dma_start3A_66 = arith.constant 0 : i32
        %dma_start3A_67 = arith.constant 0 : i32
        %dma_start3A_68 = tpu.memref_slice %arg5[%add3A, %scan3A_23, %dma_start3A_65, %dma_start3A_66, %dma_start3A_67] : memref<32x5x25x1x80xi32, #tpu.memory_space<hbm>> -> memref<1x1x25x1x80xi32, #tpu.memory_space<hbm>>
        %dma_start3A_69 = tpu.memref_squeeze %dma_start3A_68 : memref<1x1x25x1x80xi32, #tpu.memory_space<hbm>> -> memref<25x1x80xi32, #tpu.memory_space<hbm>>
        tpu.enqueue_dma source(%dma_start3A_69 : memref<25x1x80xi32, #tpu.memory_space<hbm>>) target(%arg8 : memref<25x1x80xi32, #tpu.memory_space<vmem>>) target_semaphore(%run_scoped3A : memref<!tpu.dma_semaphore, #tpu.memory_space<semaphore_mem>>)
        %dma_wait3A_70 = arith.constant 0 : i32
        %dma_wait3A_71 = arith.constant 0 : i32
        %dma_wait3A_72 = arith.constant 0 : i32
        %dma_wait3A_73 = tpu.memref_slice %arg5[%add3A, %scan3A_23, %dma_wait3A_70, %dma_wait3A_71, %dma_wait3A_72] : memref<32x5x25x1x80xi32, #tpu.memory_space<hbm>> -> memref<1x1x25x1x80xi32, #tpu.memory_space<hbm>>
        %dma_wait3A_74 = tpu.memref_squeeze %dma_wait3A_73 : memref<1x1x25x1x80xi32, #tpu.memory_space<hbm>> -> memref<25x1x80xi32, #tpu.memory_space<hbm>>
        %dma_wait3A_75 = arith.constant 0 : i32
        %dma_wait3A_76 = arith.constant 0 : i32
        %dma_wait3A_77 = arith.constant 0 : i32
        %dma_wait3A_78 = tpu.memref_slice %arg5[%add3A, %scan3A_23, %dma_wait3A_75, %dma_wait3A_76, %dma_wait3A_77] : memref<32x5x25x1x80xi32, #tpu.memory_space<hbm>> -> memref<1x1x25x1x80xi32, #tpu.memory_space<hbm>>
        %dma_wait3A_79 = tpu.memref_squeeze %dma_wait3A_78 : memref<1x1x25x1x80xi32, #tpu.memory_space<hbm>> -> memref<25x1x80xi32, #tpu.memory_space<hbm>>
        tpu.wait_dma2 semaphore(%run_scoped3A : memref<!tpu.dma_semaphore, #tpu.memory_space<semaphore_mem>>) src(%dma_wait3A_79 : memref<25x1x80xi32, #tpu.memory_space<hbm>>) dst(%arg8 : memref<25x1x80xi32, #tpu.memory_space<vmem>>)
        tpu.yield
      }) : () -> ()
      %mul3A_26 = arith.constant 80 : i32
      %mul3A_27 = arith.muli %mul3A_25, %mul3A_26 : i32
      %dma_start3A = tpu.memref_slice %arg7[%mul3A_27] : memref<10000xi32, #tpu.memory_space<vmem>> -> memref<80xi32, #tpu.memory_space<vmem>>
      %dma_start3A_28 = arith.constant 0 : i32
      %dma_start3A_29 = arith.constant 0 : i32
      %dma_start3A_30 = tpu.memref_slice %arg3[%dma_start3A_28, %dma_start3A_29] : memref<10000x64xi32, #tpu.memory_space<hbm>> -> memref<10000x64xi32, #tpu.memory_space<hbm>>
      tpu.enqueue_indirect_dma source(%dma_start3A_30 : memref<10000x64xi32, #tpu.memory_space<hbm>>) target(%arg9 : memref<80x64xi32, #tpu.memory_space<vmem>>) offsets(%dma_start3A : memref<80xi32, #tpu.memory_space<vmem>>) semaphore(%arg14 : memref<!tpu.dma_semaphore, #tpu.memory_space<semaphore_mem>>)
      %add3A_31 = arith.constant 1 : i32
      %add3A_32 = arith.addi %mul3A_25, %add3A_31 : i32
      %mul3A_33 = arith.constant 80 : i32
      %mul3A_34 = arith.muli %add3A_32, %mul3A_33 : i32
      %dma_start3A_35 = tpu.memref_slice %arg7[%mul3A_34] : memref<10000xi32, #tpu.memory_space<vmem>> -> memref<80xi32, #tpu.memory_space<vmem>>
      %dma_start3A_36 = arith.constant 0 : i32
      %dma_start3A_37 = arith.constant 0 : i32
      %dma_start3A_38 = tpu.memref_slice %arg3[%dma_start3A_36, %dma_start3A_37] : memref<10000x64xi32, #tpu.memory_space<hbm>> -> memref<10000x64xi32, #tpu.memory_space<hbm>>
      tpu.enqueue_indirect_dma source(%dma_start3A_38 : memref<10000x64xi32, #tpu.memory_space<hbm>>) target(%arg10 : memref<80x64xi32, #tpu.memory_space<vmem>>) offsets(%dma_start3A_35 : memref<80xi32, #tpu.memory_space<vmem>>) semaphore(%arg15 : memref<!tpu.dma_semaphore, #tpu.memory_space<semaphore_mem>>)
      %scan3A_39 = arith.constant 0 : i32
      %scan3A_40 = arith.constant 0 : i32
      %scan3A_41 = arith.constant 13 : i32
      %scan3A_42 = arith.addi %scan3A_40, %scan3A_41 : i32
      %scan3A_43 = arith.constant 1 : i32
      scf.for %scan3A_60 = %scan3A_40 to %scan3A_42 step %scan3A_43  : i32 {
        %mul3A_61 = arith.constant 2 : i32
        %mul3A_62 = arith.muli %mul3A_61, %scan3A_60 : i32
        %add3A_63 = arith.addi %mul3A_25, %mul3A_62 : i32
        %mul3A_64 = arith.constant 80 : i32
        %mul3A_65 = arith.muli %add3A_63, %mul3A_64 : i32
        %dma_wait3A_66 = tpu.memref_slice %arg7[%mul3A_65] : memref<10000xi32, #tpu.memory_space<vmem>> -> memref<80xi32, #tpu.memory_space<vmem>>
        %dma_wait3A_67 = arith.constant 0 : i32
        %dma_wait3A_68 = arith.constant 0 : i32
        %dma_wait3A_69 = tpu.memref_slice %arg3[%dma_wait3A_67, %dma_wait3A_68] : memref<10000x64xi32, #tpu.memory_space<hbm>> -> memref<10000x64xi32, #tpu.memory_space<hbm>>
        tpu.wait_indirect_dma semaphore(%arg14 : memref<!tpu.dma_semaphore, #tpu.memory_space<semaphore_mem>>) src(%dma_wait3A_69 : memref<10000x64xi32, #tpu.memory_space<hbm>>) dst(%arg9 : memref<80x64xi32, #tpu.memory_space<vmem>>)
        %gt3A = arith.constant 0 : i32
        %gt3A_70 = arith.cmpi sgt, %scan3A_60, %gt3A : i32
        %convert_element_type3A_71 = arith.extui %gt3A_70 : i1 to i32
        %cond3A_72 = arith.constant 0 : i32
        %cond3A_73 = arith.cmpi ne, %convert_element_type3A_71, %cond3A_72 : i32
        scf.if %cond3A_73 {
          %dma_wait3A_100 = arith.constant 0 : i32
          %dma_wait3A_101 = arith.constant 0 : i32
          %dma_wait3A_102 = arith.constant 0 : i32
          %dma_wait3A_103 = tpu.memref_slice %arg8[%dma_wait3A_100, %dma_wait3A_101, %dma_wait3A_102] : memref<25x1x80xi32, #tpu.memory_space<vmem>> -> memref<1x1x80xi32, #tpu.memory_space<vmem>>
          %dma_wait3A_104 = tpu.memref_squeeze %dma_wait3A_103 : memref<1x1x80xi32, #tpu.memory_space<vmem>> -> memref<80xi32, #tpu.memory_space<vmem>>
          %dma_wait3A_105 = arith.constant 0 : i32
          %dma_wait3A_106 = arith.constant 0 : i32
          %dma_wait3A_107 = tpu.memref_slice %arg13[%dma_wait3A_105, %dma_wait3A_106] : memref<10000x128xf32, #tpu.memory_space<vmem_shared>> -> memref<10000x128xf32, #tpu.memory_space<vmem_shared>>
          tpu.wait_indirect_dma semaphore(%arg16 : memref<!tpu.dma_semaphore, #tpu.memory_space<semaphore_mem>>) src(%arg11 : memref<80x128xf32, #tpu.memory_space<vmem>>) dst(%dma_wait3A_107 : memref<10000x128xf32, #tpu.memory_space<vmem_shared>>)
        } else {
        }
        %broadcast_in_dim3A = arith.constant 16 : i32
        %broadcast_in_dim3A_74 = vector.broadcast %broadcast_in_dim3A : i32 to vector<16xi32>
        %broadcast_in_dim3A_75 = arith.constant -65536 : i32
        %broadcast_in_dim3A_76 = vector.broadcast %broadcast_in_dim3A_75 : i32 to vector<16xi32>
        %parallel_loop3A = arith.constant 0 : i32
        %parallel_loop3A_77 = arith.constant 80 : i32
        %parallel_loop3A_78 = arith.constant 1 : i32
        scf.for %parallel_loop3A_100 = %parallel_loop3A to %parallel_loop3A_77 step %parallel_loop3A_78  : i32 {
          %parallel_loop3A_101 = arith.index_cast %parallel_loop3A_100 : i32 to index
          %parallel_loop3A_102 = arith.constant 0 : index
          %parallel_loop3A_103 = tpu.vector_load %arg9[%parallel_loop3A_101, %parallel_loop3A_102] {strides = array<i32>} : memref<80x64xi32, #tpu.memory_space<vmem>>, vector<1x16xi32>,
          %parallel_loop3A_104 = vector.shape_cast %parallel_loop3A_103 : vector<1x16xi32> to vector<16xi32>
          %parallel_loop3A_105 = arith.shli %parallel_loop3A_104, %broadcast_in_dim3A_74 : vector<16xi32>
          %parallel_loop3A_106 = tpu.bitcast %parallel_loop3A_105 : vector<16xi32> -> vector<16xf32>
          %parallel_loop3A_107 = arith.andi %parallel_loop3A_104, %broadcast_in_dim3A_76 : vector<16xi32>
          %parallel_loop3A_108 = tpu.bitcast %parallel_loop3A_107 : vector<16xi32> -> vector<16xf32>
          %parallel_loop3A_109 = arith.index_cast %parallel_loop3A_100 : i32 to index
          %parallel_loop3A_110 = arith.constant 0 : index
          %parallel_loop3A_111 = tpu.vector_load %arg11[%parallel_loop3A_109, %parallel_loop3A_110] {strides = array<i32>} : memref<80x128xf32, #tpu.memory_space<vmem>>, vector<1x16xf32>,
          %parallel_loop3A_112 = vector.shape_cast %parallel_loop3A_111 : vector<1x16xf32> to vector<16xf32>
          %parallel_loop3A_113 = vector.shape_cast %parallel_loop3A_106 : vector<16xf32> to vector<1x16xf32>
          tpu.vector_store %arg11[%parallel_loop3A_109, %parallel_loop3A_110], %parallel_loop3A_113 {strides = array<i32>} : memref<80x128xf32, #tpu.memory_space<vmem>>, vector<1x16xf32>,
          %parallel_loop3A_114 = arith.index_cast %parallel_loop3A_100 : i32 to index
          %parallel_loop3A_115 = arith.constant 16 : index
          %parallel_loop3A_116 = tpu.vector_load %arg11[%parallel_loop3A_114, %parallel_loop3A_115] {strides = array<i32>} : memref<80x128xf32, #tpu.memory_space<vmem>>, vector<1x16xf32>,
          %parallel_loop3A_117 = vector.shape_cast %parallel_loop3A_116 : vector<1x16xf32> to vector<16xf32>
          %parallel_loop3A_118 = vector.shape_cast %parallel_loop3A_108 : vector<16xf32> to vector<1x16xf32>
          tpu.vector_store %arg11[%parallel_loop3A_114, %parallel_loop3A_115], %parallel_loop3A_118 {strides = array<i32>} : memref<80x128xf32, #tpu.memory_space<vmem>>, vector<1x16xf32>,
          %parallel_loop3A_119 = arith.index_cast %parallel_loop3A_100 : i32 to index
          %parallel_loop3A_120 = arith.constant 16 : index
          %parallel_loop3A_121 = tpu.vector_load %arg9[%parallel_loop3A_119, %parallel_loop3A_120] {strides = array<i32>} : memref<80x64xi32, #tpu.memory_space<vmem>>, vector<1x16xi32>,
          %parallel_loop3A_122 = vector.shape_cast %parallel_loop3A_121 : vector<1x16xi32> to vector<16xi32>
          %parallel_loop3A_123 = arith.shli %parallel_loop3A_122, %broadcast_in_dim3A_74 : vector<16xi32>
          %parallel_loop3A_124 = tpu.bitcast %parallel_loop3A_123 : vector<16xi32> -> vector<16xf32>
          %parallel_loop3A_125 = arith.andi %parallel_loop3A_122, %broadcast_in_dim3A_76 : vector<16xi32>
          %parallel_loop3A_126 = tpu.bitcast %parallel_loop3A_125 : vector<16xi32> -> vector<16xf32>
          %parallel_loop3A_127 = arith.index_cast %parallel_loop3A_100 : i32 to index
          %parallel_loop3A_128 = arith.constant 32 : index
          %parallel_loop3A_129 = tpu.vector_load %arg11[%parallel_loop3A_127, %parallel_loop3A_128] {strides = array<i32>} : memref<80x128xf32, #tpu.memory_space<vmem>>, vector<1x16xf32>,
          %parallel_loop3A_130 = vector.shape_cast %parallel_loop3A_129 : vector<1x16xf32> to vector<16xf32>
          %parallel_loop3A_131 = vector.shape_cast %parallel_loop3A_124 : vector<16xf32> to vector<1x16xf32>
          tpu.vector_store %arg11[%parallel_loop3A_127, %parallel_loop3A_128], %parallel_loop3A_131 {strides = array<i32>} : memref<80x128xf32, #tpu.memory_space<vmem>>, vector<1x16xf32>,
          %parallel_loop3A_132 = arith.index_cast %parallel_loop3A_100 : i32 to index
          %parallel_loop3A_133 = arith.constant 48 : index
          %parallel_loop3A_134 = tpu.vector_load %arg11[%parallel_loop3A_132, %parallel_loop3A_133] {strides = array<i32>} : memref<80x128xf32, #tpu.memory_space<vmem>>, vector<1x16xf32>,
          %parallel_loop3A_135 = vector.shape_cast %parallel_loop3A_134 : vector<1x16xf32> to vector<16xf32>
          %parallel_loop3A_136 = vector.shape_cast %parallel_loop3A_126 : vector<16xf32> to vector<1x16xf32>
          tpu.vector_store %arg11[%parallel_loop3A_132, %parallel_loop3A_133], %parallel_loop3A_136 {strides = array<i32>} : memref<80x128xf32, #tpu.memory_space<vmem>>, vector<1x16xf32>,
          %parallel_loop3A_137 = arith.index_cast %parallel_loop3A_100 : i32 to index
          %parallel_loop3A_138 = arith.constant 32 : index
          %parallel_loop3A_139 = tpu.vector_load %arg9[%parallel_loop3A_137, %parallel_loop3A_138] {strides = array<i32>} : memref<80x64xi32, #tpu.memory_space<vmem>>, vector<1x16xi32>,
          %parallel_loop3A_140 = vector.shape_cast %parallel_loop3A_139 : vector<1x16xi32> to vector<16xi32>
          %parallel_loop3A_141 = arith.shli %parallel_loop3A_140, %broadcast_in_dim3A_74 : vector<16xi32>
          %parallel_loop3A_142 = tpu.bitcast %parallel_loop3A_141 : vector<16xi32> -> vector<16xf32>
          %parallel_loop3A_143 = arith.andi %parallel_loop3A_140, %broadcast_in_dim3A_76 : vector<16xi32>
          %parallel_loop3A_144 = tpu.bitcast %parallel_loop3A_143 : vector<16xi32> -> vector<16xf32>
          %parallel_loop3A_145 = arith.index_cast %parallel_loop3A_100 : i32 to index
          %parallel_loop3A_146 = arith.constant 64 : index
          %parallel_loop3A_147 = tpu.vector_load %arg11[%parallel_loop3A_145, %parallel_loop3A_146] {strides = array<i32>} : memref<80x128xf32, #tpu.memory_space<vmem>>, vector<1x16xf32>,
          %parallel_loop3A_148 = vector.shape_cast %parallel_loop3A_147 : vector<1x16xf32> to vector<16xf32>
          %parallel_loop3A_149 = vector.shape_cast %parallel_loop3A_142 : vector<16xf32> to vector<1x16xf32>
          tpu.vector_store %arg11[%parallel_loop3A_145, %parallel_loop3A_146], %parallel_loop3A_149 {strides = array<i32>} : memref<80x128xf32, #tpu.memory_space<vmem>>, vector<1x16xf32>,
          %parallel_loop3A_150 = arith.index_cast %parallel_loop3A_100 : i32 to index
          %parallel_loop3A_151 = arith.constant 80 : index
          %parallel_loop3A_152 = tpu.vector_load %arg11[%parallel_loop3A_150, %parallel_loop3A_151] {strides = array<i32>} : memref<80x128xf32, #tpu.memory_space<vmem>>, vector<1x16xf32>,
          %parallel_loop3A_153 = vector.shape_cast %parallel_loop3A_152 : vector<1x16xf32> to vector<16xf32>
          %parallel_loop3A_154 = vector.shape_cast %parallel_loop3A_144 : vector<16xf32> to vector<1x16xf32>
          tpu.vector_store %arg11[%parallel_loop3A_150, %parallel_loop3A_151], %parallel_loop3A_154 {strides = array<i32>} : memref<80x128xf32, #tpu.memory_space<vmem>>, vector<1x16xf32>,
          %parallel_loop3A_155 = arith.index_cast %parallel_loop3A_100 : i32 to index
          %parallel_loop3A_156 = arith.constant 48 : index
          %parallel_loop3A_157 = tpu.vector_load %arg9[%parallel_loop3A_155, %parallel_loop3A_156] {strides = array<i32>} : memref<80x64xi32, #tpu.memory_space<vmem>>, vector<1x16xi32>,
          %parallel_loop3A_158 = vector.shape_cast %parallel_loop3A_157 : vector<1x16xi32> to vector<16xi32>
          %parallel_loop3A_159 = arith.shli %parallel_loop3A_158, %broadcast_in_dim3A_74 : vector<16xi32>
          %parallel_loop3A_160 = tpu.bitcast %parallel_loop3A_159 : vector<16xi32> -> vector<16xf32>
          %parallel_loop3A_161 = arith.andi %parallel_loop3A_158, %broadcast_in_dim3A_76 : vector<16xi32>
          %parallel_loop3A_162 = tpu.bitcast %parallel_loop3A_161 : vector<16xi32> -> vector<16xf32>
          %parallel_loop3A_163 = arith.index_cast %parallel_loop3A_100 : i32 to index
          %parallel_loop3A_164 = arith.constant 96 : index
          %parallel_loop3A_165 = tpu.vector_load %arg11[%parallel_loop3A_163, %parallel_loop3A_164] {strides = array<i32>} : memref<80x128xf32, #tpu.memory_space<vmem>>, vector<1x16xf32>,
          %parallel_loop3A_166 = vector.shape_cast %parallel_loop3A_165 : vector<1x16xf32> to vector<16xf32>
          %parallel_loop3A_167 = vector.shape_cast %parallel_loop3A_160 : vector<16xf32> to vector<1x16xf32>
          tpu.vector_store %arg11[%parallel_loop3A_163, %parallel_loop3A_164], %parallel_loop3A_167 {strides = array<i32>} : memref<80x128xf32, #tpu.memory_space<vmem>>, vector<1x16xf32>,
          %parallel_loop3A_168 = arith.index_cast %parallel_loop3A_100 : i32 to index
          %parallel_loop3A_169 = arith.constant 112 : index
          %parallel_loop3A_170 = tpu.vector_load %arg11[%parallel_loop3A_168, %parallel_loop3A_169] {strides = array<i32>} : memref<80x128xf32, #tpu.memory_space<vmem>>, vector<1x16xf32>,
          %parallel_loop3A_171 = vector.shape_cast %parallel_loop3A_170 : vector<1x16xf32> to vector<16xf32>
          %parallel_loop3A_172 = vector.shape_cast %parallel_loop3A_162 : vector<16xf32> to vector<1x16xf32>
          tpu.vector_store %arg11[%parallel_loop3A_168, %parallel_loop3A_169], %parallel_loop3A_172 {strides = array<i32>} : memref<80x128xf32, #tpu.memory_space<vmem>>, vector<1x16xf32>,
        } {sc.loop_unroll_factor = 8 : i64, sc.parallel_access}
        %add3A_79 = arith.constant 2 : i32
        %add3A_80 = arith.addi %mul3A_62, %add3A_79 : i32
        %lt3A_81 = arith.constant 25 : i32
        %lt3A_82 = arith.cmpi slt, %add3A_80, %lt3A_81 : i32
        %convert_element_type3A_83 = arith.extui %lt3A_82 : i1 to i32
        %cond3A_84 = arith.constant 0 : i32
        %cond3A_85 = arith.cmpi ne, %convert_element_type3A_83, %cond3A_84 : i32
        scf.if %cond3A_85 {
          %add3A_100 = arith.constant 2 : i32
          %add3A_101 = arith.addi %add3A_63, %add3A_100 : i32
          %mul3A_102 = arith.constant 80 : i32
          %mul3A_103 = arith.muli %add3A_101, %mul3A_102 : i32
          %dma_start3A_104 = tpu.memref_slice %arg7[%mul3A_103] : memref<10000xi32, #tpu.memory_space<vmem>> -> memref<80xi32, #tpu.memory_space<vmem>>
          %dma_start3A_105 = arith.constant 0 : i32
          %dma_start3A_106 = arith.constant 0 : i32
          %dma_start3A_107 = tpu.memref_slice %arg3[%dma_start3A_105, %dma_start3A_106] : memref<10000x64xi32, #tpu.memory_space<hbm>> -> memref<10000x64xi32, #tpu.memory_space<hbm>>
          tpu.enqueue_indirect_dma source(%dma_start3A_107 : memref<10000x64xi32, #tpu.memory_space<hbm>>) target(%arg9 : memref<80x64xi32, #tpu.memory_space<vmem>>) offsets(%dma_start3A_104 : memref<80xi32, #tpu.memory_space<vmem>>) semaphore(%arg14 : memref<!tpu.dma_semaphore, #tpu.memory_space<semaphore_mem>>)
        } else {
        }
        %dma_start3A_86 = arith.constant 0 : i32
        %dma_start3A_87 = arith.constant 0 : i32
        %dma_start3A_88 = tpu.memref_slice %arg8[%mul3A_62, %dma_start3A_86, %dma_start3A_87] : memref<25x1x80xi32, #tpu.memory_space<vmem>> -> memref<1x1x80xi32, #tpu.memory_space<vmem>>
        %dma_start3A_89 = tpu.memref_squeeze %dma_start3A_88 : memref<1x1x80xi32, #tpu.memory_space<vmem>> -> memref<80xi32, #tpu.memory_space<vmem>>
        %dma_start3A_90 = arith.constant 0 : i32
        %dma_start3A_91 = arith.constant 0 : i32
        %dma_start3A_92 = tpu.memref_slice %arg13[%dma_start3A_90, %dma_start3A_91] : memref<10000x128xf32, #tpu.memory_space<vmem_shared>> -> memref<10000x128xf32, #tpu.memory_space<vmem_shared>>
        tpu.enqueue_indirect_dma source(%arg11 : memref<80x128xf32, #tpu.memory_space<vmem>>) target(%dma_start3A_92 : memref<10000x128xf32, #tpu.memory_space<vmem_shared>>) offsets(%dma_start3A_89 : memref<80xi32, #tpu.memory_space<vmem>>) semaphore(%arg16 : memref<!tpu.dma_semaphore, #tpu.memory_space<semaphore_mem>>) {add = true}
        %add3A_93 = arith.constant 1 : i32
        %add3A_94 = arith.addi %mul3A_62, %add3A_93 : i32
        %lt3A_95 = arith.constant 25 : i32
        %lt3A_96 = arith.cmpi slt, %add3A_94, %lt3A_95 : i32
        %convert_element_type3A_97 = arith.extui %lt3A_96 : i1 to i32
        %cond3A_98 = arith.constant 0 : i32
        %cond3A_99 = arith.cmpi ne, %convert_element_type3A_97, %cond3A_98 : i32
        scf.if %cond3A_99 {
          %add3A_100 = arith.constant 1 : i32
          %add3A_101 = arith.addi %add3A_63, %add3A_100 : i32
          %mul3A_102 = arith.constant 80 : i32
          %mul3A_103 = arith.muli %add3A_101, %mul3A_102 : i32
          %dma_wait3A_104 = tpu.memref_slice %arg7[%mul3A_103] : memref<10000xi32, #tpu.memory_space<vmem>> -> memref<80xi32, #tpu.memory_space<vmem>>
          %dma_wait3A_105 = arith.constant 0 : i32
          %dma_wait3A_106 = arith.constant 0 : i32
          %dma_wait3A_107 = tpu.memref_slice %arg3[%dma_wait3A_105, %dma_wait3A_106] : memref<10000x64xi32, #tpu.memory_space<hbm>> -> memref<10000x64xi32, #tpu.memory_space<hbm>>
          tpu.wait_indirect_dma semaphore(%arg15 : memref<!tpu.dma_semaphore, #tpu.memory_space<semaphore_mem>>) src(%dma_wait3A_107 : memref<10000x64xi32, #tpu.memory_space<hbm>>) dst(%arg10 : memref<80x64xi32, #tpu.memory_space<vmem>>)
          %gt3A_108 = arith.constant 0 : i32
          %gt3A_109 = arith.cmpi sgt, %scan3A_60, %gt3A_108 : i32
          %convert_element_type3A_110 = arith.extui %gt3A_109 : i1 to i32
          %cond3A_111 = arith.constant 0 : i32
          %cond3A_112 = arith.cmpi ne, %convert_element_type3A_110, %cond3A_111 : i32
          scf.if %cond3A_112 {
            %dma_wait3A_136 = arith.constant 0 : i32
            %dma_wait3A_137 = arith.constant 0 : i32
            %dma_wait3A_138 = arith.constant 0 : i32
            %dma_wait3A_139 = tpu.memref_slice %arg8[%dma_wait3A_136, %dma_wait3A_137, %dma_wait3A_138] : memref<25x1x80xi32, #tpu.memory_space<vmem>> -> memref<1x1x80xi32, #tpu.memory_space<vmem>>
            %dma_wait3A_140 = tpu.memref_squeeze %dma_wait3A_139 : memref<1x1x80xi32, #tpu.memory_space<vmem>> -> memref<80xi32, #tpu.memory_space<vmem>>
            %dma_wait3A_141 = arith.constant 0 : i32
            %dma_wait3A_142 = arith.constant 0 : i32
            %dma_wait3A_143 = tpu.memref_slice %arg13[%dma_wait3A_141, %dma_wait3A_142] : memref<10000x128xf32, #tpu.memory_space<vmem_shared>> -> memref<10000x128xf32, #tpu.memory_space<vmem_shared>>
            tpu.wait_indirect_dma semaphore(%arg17 : memref<!tpu.dma_semaphore, #tpu.memory_space<semaphore_mem>>) src(%arg12 : memref<80x128xf32, #tpu.memory_space<vmem>>) dst(%dma_wait3A_143 : memref<10000x128xf32, #tpu.memory_space<vmem_shared>>)
          } else {
          }
          %broadcast_in_dim3A_113 = arith.constant 16 : i32
          %broadcast_in_dim3A_114 = vector.broadcast %broadcast_in_dim3A_113 : i32 to vector<16xi32>
          %broadcast_in_dim3A_115 = arith.constant -65536 : i32
          %broadcast_in_dim3A_116 = vector.broadcast %broadcast_in_dim3A_115 : i32 to vector<16xi32>
          %parallel_loop3A_117 = arith.constant 0 : i32
          %parallel_loop3A_118 = arith.constant 80 : i32
          %parallel_loop3A_119 = arith.constant 1 : i32
          scf.for %parallel_loop3A_136 = %parallel_loop3A_117 to %parallel_loop3A_118 step %parallel_loop3A_119  : i32 {
            %parallel_loop3A_137 = arith.index_cast %parallel_loop3A_136 : i32 to index
            %parallel_loop3A_138 = arith.constant 0 : index
            %parallel_loop3A_139 = tpu.vector_load %arg10[%parallel_loop3A_137, %parallel_loop3A_138] {strides = array<i32>} : memref<80x64xi32, #tpu.memory_space<vmem>>, vector<1x16xi32>,
            %parallel_loop3A_140 = vector.shape_cast %parallel_loop3A_139 : vector<1x16xi32> to vector<16xi32>
            %parallel_loop3A_141 = arith.shli %parallel_loop3A_140, %broadcast_in_dim3A_114 : vector<16xi32>
            %parallel_loop3A_142 = tpu.bitcast %parallel_loop3A_141 : vector<16xi32> -> vector<16xf32>
            %parallel_loop3A_143 = arith.andi %parallel_loop3A_140, %broadcast_in_dim3A_116 : vector<16xi32>
            %parallel_loop3A_144 = tpu.bitcast %parallel_loop3A_143 : vector<16xi32> -> vector<16xf32>
            %parallel_loop3A_145 = arith.index_cast %parallel_loop3A_136 : i32 to index
            %parallel_loop3A_146 = arith.constant 0 : index
            %parallel_loop3A_147 = tpu.vector_load %arg12[%parallel_loop3A_145, %parallel_loop3A_146] {strides = array<i32>} : memref<80x128xf32, #tpu.memory_space<vmem>>, vector<1x16xf32>,
            %parallel_loop3A_148 = vector.shape_cast %parallel_loop3A_147 : vector<1x16xf32> to vector<16xf32>
            %parallel_loop3A_149 = vector.shape_cast %parallel_loop3A_142 : vector<16xf32> to vector<1x16xf32>
            tpu.vector_store %arg12[%parallel_loop3A_145, %parallel_loop3A_146], %parallel_loop3A_149 {strides = array<i32>} : memref<80x128xf32, #tpu.memory_space<vmem>>, vector<1x16xf32>,
            %parallel_loop3A_150 = arith.index_cast %parallel_loop3A_136 : i32 to index
            %parallel_loop3A_151 = arith.constant 16 : index
            %parallel_loop3A_152 = tpu.vector_load %arg12[%parallel_loop3A_150, %parallel_loop3A_151] {strides = array<i32>} : memref<80x128xf32, #tpu.memory_space<vmem>>, vector<1x16xf32>,
            %parallel_loop3A_153 = vector.shape_cast %parallel_loop3A_152 : vector<1x16xf32> to vector<16xf32>
            %parallel_loop3A_154 = vector.shape_cast %parallel_loop3A_144 : vector<16xf32> to vector<1x16xf32>
            tpu.vector_store %arg12[%parallel_loop3A_150, %parallel_loop3A_151], %parallel_loop3A_154 {strides = array<i32>} : memref<80x128xf32, #tpu.memory_space<vmem>>, vector<1x16xf32>,
            %parallel_loop3A_155 = arith.index_cast %parallel_loop3A_136 : i32 to index
            %parallel_loop3A_156 = arith.constant 16 : index
            %parallel_loop3A_157 = tpu.vector_load %arg10[%parallel_loop3A_155, %parallel_loop3A_156] {strides = array<i32>} : memref<80x64xi32, #tpu.memory_space<vmem>>, vector<1x16xi32>,
            %parallel_loop3A_158 = vector.shape_cast %parallel_loop3A_157 : vector<1x16xi32> to vector<16xi32>
            %parallel_loop3A_159 = arith.shli %parallel_loop3A_158, %broadcast_in_dim3A_114 : vector<16xi32>
            %parallel_loop3A_160 = tpu.bitcast %parallel_loop3A_159 : vector<16xi32> -> vector<16xf32>
            %parallel_loop3A_161 = arith.andi %parallel_loop3A_158, %broadcast_in_dim3A_116 : vector<16xi32>
            %parallel_loop3A_162 = tpu.bitcast %parallel_loop3A_161 : vector<16xi32> -> vector<16xf32>
            %parallel_loop3A_163 = arith.index_cast %parallel_loop3A_136 : i32 to index
            %parallel_loop3A_164 = arith.constant 32 : index
            %parallel_loop3A_165 = tpu.vector_load %arg12[%parallel_loop3A_163, %parallel_loop3A_164] {strides = array<i32>} : memref<80x128xf32, #tpu.memory_space<vmem>>, vector<1x16xf32>,
            %parallel_loop3A_166 = vector.shape_cast %parallel_loop3A_165 : vector<1x16xf32> to vector<16xf32>
            %parallel_loop3A_167 = vector.shape_cast %parallel_loop3A_160 : vector<16xf32> to vector<1x16xf32>
            tpu.vector_store %arg12[%parallel_loop3A_163, %parallel_loop3A_164], %parallel_loop3A_167 {strides = array<i32>} : memref<80x128xf32, #tpu.memory_space<vmem>>, vector<1x16xf32>,
            %parallel_loop3A_168 = arith.index_cast %parallel_loop3A_136 : i32 to index
            %parallel_loop3A_169 = arith.constant 48 : index
            %parallel_loop3A_170 = tpu.vector_load %arg12[%parallel_loop3A_168, %parallel_loop3A_169] {strides = array<i32>} : memref<80x128xf32, #tpu.memory_space<vmem>>, vector<1x16xf32>,
            %parallel_loop3A_171 = vector.shape_cast %parallel_loop3A_170 : vector<1x16xf32> to vector<16xf32>
            %parallel_loop3A_172 = vector.shape_cast %parallel_loop3A_162 : vector<16xf32> to vector<1x16xf32>
            tpu.vector_store %arg12[%parallel_loop3A_168, %parallel_loop3A_169], %parallel_loop3A_172 {strides = array<i32>} : memref<80x128xf32, #tpu.memory_space<vmem>>, vector<1x16xf32>,
            %parallel_loop3A_173 = arith.index_cast %parallel_loop3A_136 : i32 to index
            %parallel_loop3A_174 = arith.constant 32 : index
            %parallel_loop3A_175 = tpu.vector_load %arg10[%parallel_loop3A_173, %parallel_loop3A_174] {strides = array<i32>} : memref<80x64xi32, #tpu.memory_space<vmem>>, vector<1x16xi32>,
            %parallel_loop3A_176 = vector.shape_cast %parallel_loop3A_175 : vector<1x16xi32> to vector<16xi32>
            %parallel_loop3A_177 = arith.shli %parallel_loop3A_176, %broadcast_in_dim3A_114 : vector<16xi32>
            %parallel_loop3A_178 = tpu.bitcast %parallel_loop3A_177 : vector<16xi32> -> vector<16xf32>
            %parallel_loop3A_179 = arith.andi %parallel_loop3A_176, %broadcast_in_dim3A_116 : vector<16xi32>
            %parallel_loop3A_180 = tpu.bitcast %parallel_loop3A_179 : vector<16xi32> -> vector<16xf32>
            %parallel_loop3A_181 = arith.index_cast %parallel_loop3A_136 : i32 to index
            %parallel_loop3A_182 = arith.constant 64 : index
            %parallel_loop3A_183 = tpu.vector_load %arg12[%parallel_loop3A_181, %parallel_loop3A_182] {strides = array<i32>} : memref<80x128xf32, #tpu.memory_space<vmem>>, vector<1x16xf32>,
            %parallel_loop3A_184 = vector.shape_cast %parallel_loop3A_183 : vector<1x16xf32> to vector<16xf32>
            %parallel_loop3A_185 = vector.shape_cast %parallel_loop3A_178 : vector<16xf32> to vector<1x16xf32>
            tpu.vector_store %arg12[%parallel_loop3A_181, %parallel_loop3A_182], %parallel_loop3A_185 {strides = array<i32>} : memref<80x128xf32, #tpu.memory_space<vmem>>, vector<1x16xf32>,
            %parallel_loop3A_186 = arith.index_cast %parallel_loop3A_136 : i32 to index
            %parallel_loop3A_187 = arith.constant 80 : index
            %parallel_loop3A_188 = tpu.vector_load %arg12[%parallel_loop3A_186, %parallel_loop3A_187] {strides = array<i32>} : memref<80x128xf32, #tpu.memory_space<vmem>>, vector<1x16xf32>,
            %parallel_loop3A_189 = vector.shape_cast %parallel_loop3A_188 : vector<1x16xf32> to vector<16xf32>
            %parallel_loop3A_190 = vector.shape_cast %parallel_loop3A_180 : vector<16xf32> to vector<1x16xf32>
            tpu.vector_store %arg12[%parallel_loop3A_186, %parallel_loop3A_187], %parallel_loop3A_190 {strides = array<i32>} : memref<80x128xf32, #tpu.memory_space<vmem>>, vector<1x16xf32>,
            %parallel_loop3A_191 = arith.index_cast %parallel_loop3A_136 : i32 to index
            %parallel_loop3A_192 = arith.constant 48 : index
            %parallel_loop3A_193 = tpu.vector_load %arg10[%parallel_loop3A_191, %parallel_loop3A_192] {strides = array<i32>} : memref<80x64xi32, #tpu.memory_space<vmem>>, vector<1x16xi32>,
            %parallel_loop3A_194 = vector.shape_cast %parallel_loop3A_193 : vector<1x16xi32> to vector<16xi32>
            %parallel_loop3A_195 = arith.shli %parallel_loop3A_194, %broadcast_in_dim3A_114 : vector<16xi32>
            %parallel_loop3A_196 = tpu.bitcast %parallel_loop3A_195 : vector<16xi32> -> vector<16xf32>
            %parallel_loop3A_197 = arith.andi %parallel_loop3A_194, %broadcast_in_dim3A_116 : vector<16xi32>
            %parallel_loop3A_198 = tpu.bitcast %parallel_loop3A_197 : vector<16xi32> -> vector<16xf32>
            %parallel_loop3A_199 = arith.index_cast %parallel_loop3A_136 : i32 to index
            %parallel_loop3A_200 = arith.constant 96 : index
            %parallel_loop3A_201 = tpu.vector_load %arg12[%parallel_loop3A_199, %parallel_loop3A_200] {strides = array<i32>} : memref<80x128xf32, #tpu.memory_space<vmem>>, vector<1x16xf32>,
            %parallel_loop3A_202 = vector.shape_cast %parallel_loop3A_201 : vector<1x16xf32> to vector<16xf32>
            %parallel_loop3A_203 = vector.shape_cast %parallel_loop3A_196 : vector<16xf32> to vector<1x16xf32>
            tpu.vector_store %arg12[%parallel_loop3A_199, %parallel_loop3A_200], %parallel_loop3A_203 {strides = array<i32>} : memref<80x128xf32, #tpu.memory_space<vmem>>, vector<1x16xf32>,
            %parallel_loop3A_204 = arith.index_cast %parallel_loop3A_136 : i32 to index
            %parallel_loop3A_205 = arith.constant 112 : index
            %parallel_loop3A_206 = tpu.vector_load %arg12[%parallel_loop3A_204, %parallel_loop3A_205] {strides = array<i32>} : memref<80x128xf32, #tpu.memory_space<vmem>>, vector<1x16xf32>,
            %parallel_loop3A_207 = vector.shape_cast %parallel_loop3A_206 : vector<1x16xf32> to vector<16xf32>
            %parallel_loop3A_208 = vector.shape_cast %parallel_loop3A_198 : vector<16xf32> to vector<1x16xf32>
            tpu.vector_store %arg12[%parallel_loop3A_204, %parallel_loop3A_205], %parallel_loop3A_208 {strides = array<i32>} : memref<80x128xf32, #tpu.memory_space<vmem>>, vector<1x16xf32>,
          } {sc.loop_unroll_factor = 8 : i64, sc.parallel_access}
          %add3A_120 = arith.constant 3 : i32
          %add3A_121 = arith.addi %mul3A_62, %add3A_120 : i32
          %lt3A_122 = arith.constant 25 : i32
          %lt3A_123 = arith.cmpi slt, %add3A_121, %lt3A_122 : i32
          %convert_element_type3A_124 = arith.extui %lt3A_123 : i1 to i32
          %cond3A_125 = arith.constant 0 : i32
          %cond3A_126 = arith.cmpi ne, %convert_element_type3A_124, %cond3A_125 : i32
          scf.if %cond3A_126 {
            %add3A_136 = arith.constant 3 : i32
            %add3A_137 = arith.addi %add3A_63, %add3A_136 : i32
            %mul3A_138 = arith.constant 80 : i32
            %mul3A_139 = arith.muli %add3A_137, %mul3A_138 : i32
            %dma_start3A_140 = tpu.memref_slice %arg7[%mul3A_139] : memref<10000xi32, #tpu.memory_space<vmem>> -> memref<80xi32, #tpu.memory_space<vmem>>
            %dma_start3A_141 = arith.constant 0 : i32
            %dma_start3A_142 = arith.constant 0 : i32
            %dma_start3A_143 = tpu.memref_slice %arg3[%dma_start3A_141, %dma_start3A_142] : memref<10000x64xi32, #tpu.memory_space<hbm>> -> memref<10000x64xi32, #tpu.memory_space<hbm>>
            tpu.enqueue_indirect_dma source(%dma_start3A_143 : memref<10000x64xi32, #tpu.memory_space<hbm>>) target(%arg10 : memref<80x64xi32, #tpu.memory_space<vmem>>) offsets(%dma_start3A_140 : memref<80xi32, #tpu.memory_space<vmem>>) semaphore(%arg15 : memref<!tpu.dma_semaphore, #tpu.memory_space<semaphore_mem>>)
          } else {
          }
          %add3A_127 = arith.constant 1 : i32
          %add3A_128 = arith.addi %mul3A_62, %add3A_127 : i32
          %dma_start3A_129 = arith.constant 0 : i32
          %dma_start3A_130 = arith.constant 0 : i32
          %dma_start3A_131 = tpu.memref_slice %arg8[%add3A_128, %dma_start3A_129, %dma_start3A_130] : memref<25x1x80xi32, #tpu.memory_space<vmem>> -> memref<1x1x80xi32, #tpu.memory_space<vmem>>
          %dma_start3A_132 = tpu.memref_squeeze %dma_start3A_131 : memref<1x1x80xi32, #tpu.memory_space<vmem>> -> memref<80xi32, #tpu.memory_space<vmem>>
          %dma_start3A_133 = arith.constant 0 : i32
          %dma_start3A_134 = arith.constant 0 : i32
          %dma_start3A_135 = tpu.memref_slice %arg13[%dma_start3A_133, %dma_start3A_134] : memref<10000x128xf32, #tpu.memory_space<vmem_shared>> -> memref<10000x128xf32, #tpu.memory_space<vmem_shared>>
          tpu.enqueue_indirect_dma source(%arg12 : memref<80x128xf32, #tpu.memory_space<vmem>>) target(%dma_start3A_135 : memref<10000x128xf32, #tpu.memory_space<vmem_shared>>) offsets(%dma_start3A_132 : memref<80xi32, #tpu.memory_space<vmem>>) semaphore(%arg17 : memref<!tpu.dma_semaphore, #tpu.memory_space<semaphore_mem>>) {add = true}
        } else {
        }
      }
      %scan3A_44 = arith.constant 13 : i32
      %dma_wait3A = arith.constant 0 : i32
      %dma_wait3A_45 = arith.constant 0 : i32
      %dma_wait3A_46 = arith.constant 0 : i32
      %dma_wait3A_47 = tpu.memref_slice %arg8[%dma_wait3A, %dma_wait3A_45, %dma_wait3A_46] : memref<25x1x80xi32, #tpu.memory_space<vmem>> -> memref<1x1x80xi32, #tpu.memory_space<vmem>>
      %dma_wait3A_48 = tpu.memref_squeeze %dma_wait3A_47 : memref<1x1x80xi32, #tpu.memory_space<vmem>> -> memref<80xi32, #tpu.memory_space<vmem>>
      %dma_wait3A_49 = arith.constant 0 : i32
      %dma_wait3A_50 = arith.constant 0 : i32
      %dma_wait3A_51 = tpu.memref_slice %arg13[%dma_wait3A_49, %dma_wait3A_50] : memref<10000x128xf32, #tpu.memory_space<vmem_shared>> -> memref<10000x128xf32, #tpu.memory_space<vmem_shared>>
      tpu.wait_indirect_dma semaphore(%arg16 : memref<!tpu.dma_semaphore, #tpu.memory_space<semaphore_mem>>) src(%arg11 : memref<80x128xf32, #tpu.memory_space<vmem>>) dst(%dma_wait3A_51 : memref<10000x128xf32, #tpu.memory_space<vmem_shared>>)
      %dma_wait3A_52 = arith.constant 0 : i32
      %dma_wait3A_53 = arith.constant 0 : i32
      %dma_wait3A_54 = arith.constant 0 : i32
      %dma_wait3A_55 = tpu.memref_slice %arg8[%dma_wait3A_52, %dma_wait3A_53, %dma_wait3A_54] : memref<25x1x80xi32, #tpu.memory_space<vmem>> -> memref<1x1x80xi32, #tpu.memory_space<vmem>>
      %dma_wait3A_56 = tpu.memref_squeeze %dma_wait3A_55 : memref<1x1x80xi32, #tpu.memory_space<vmem>> -> memref<80xi32, #tpu.memory_space<vmem>>
      %dma_wait3A_57 = arith.constant 0 : i32
      %dma_wait3A_58 = arith.constant 0 : i32
      %dma_wait3A_59 = tpu.memref_slice %arg13[%dma_wait3A_57, %dma_wait3A_58] : memref<10000x128xf32, #tpu.memory_space<vmem_shared>> -> memref<10000x128xf32, #tpu.memory_space<vmem_shared>>
      tpu.wait_indirect_dma semaphore(%arg17 : memref<!tpu.dma_semaphore, #tpu.memory_space<semaphore_mem>>) src(%arg12 : memref<80x128xf32, #tpu.memory_space<vmem>>) dst(%dma_wait3A_59 : memref<10000x128xf32, #tpu.memory_space<vmem_shared>>)
    }
    %scan3A_11 = arith.constant 5 : i32
    %barrier3A_12 = arith.constant 0 : index
    tpu.barrier barrier_id(%barrier3A_12)
    %lt3A_13 = arith.constant 15 : i32
    %lt3A_14 = arith.cmpi slt, %arg1, %lt3A_13 : i32
    %convert_element_type3A_15 = arith.extui %lt3A_14 : i1 to i32
    %cond3A_16 = arith.constant 0 : i32
    %cond3A_17 = arith.cmpi ne, %convert_element_type3A_15, %cond3A_16 : i32
    scf.if %cond3A_17 {
      %mul3A_23 = arith.constant 624 : i32
      %mul3A_24 = arith.muli %arg1, %mul3A_23 : i32
      %mul3A_25 = arith.constant 624 : i32
      %mul3A_26 = arith.muli %arg1, %mul3A_25 : i32
      "tpu.region"() ({
        %run_scoped3A = tpu.sem_alloc : memref<!tpu.dma_semaphore, #tpu.memory_space<semaphore_mem>>
        %dma_start3A = arith.constant 0 : i32
        %dma_start3A_27 = tpu.memref_slice %arg6[%arg0, %mul3A_26, %dma_start3A] : memref<2x10000x128xf32, #tpu.memory_space<hbm>> -> memref<1x624x128xf32, #tpu.memory_space<hbm>>
        %dma_start3A_28 = tpu.memref_squeeze %dma_start3A_27 : memref<1x624x128xf32, #tpu.memory_space<hbm>> -> memref<624x128xf32, #tpu.memory_space<hbm>>
        %dma_start3A_29 = arith.constant 0 : i32
        %dma_start3A_30 = tpu.memref_slice %arg13[%mul3A_24, %dma_start3A_29] : memref<10000x128xf32, #tpu.memory_space<vmem_shared>> -> memref<624x128xf32, #tpu.memory_space<vmem_shared>>
        tpu.enqueue_dma source(%dma_start3A_30 : memref<624x128xf32, #tpu.memory_space<vmem_shared>>) target(%dma_start3A_28 : memref<624x128xf32, #tpu.memory_space<hbm>>) target_semaphore(%run_scoped3A : memref<!tpu.dma_semaphore, #tpu.memory_space<semaphore_mem>>)
        %dma_wait3A = arith.constant 0 : i32
        %dma_wait3A_31 = tpu.memref_slice %arg6[%arg0, %mul3A_26, %dma_wait3A] : memref<2x10000x128xf32, #tpu.memory_space<hbm>> -> memref<1x624x128xf32, #tpu.memory_space<hbm>>
        %dma_wait3A_32 = tpu.memref_squeeze %dma_wait3A_31 : memref<1x624x128xf32, #tpu.memory_space<hbm>> -> memref<624x128xf32, #tpu.memory_space<hbm>>
        %dma_wait3A_33 = arith.constant 0 : i32
        %dma_wait3A_34 = tpu.memref_slice %arg13[%mul3A_24, %dma_wait3A_33] : memref<10000x128xf32, #tpu.memory_space<vmem_shared>> -> memref<624x128xf32, #tpu.memory_space<vmem_shared>>
        tpu.wait_dma2 semaphore(%run_scoped3A : memref<!tpu.dma_semaphore, #tpu.memory_space<semaphore_mem>>) src(%dma_wait3A_34 : memref<624x128xf32, #tpu.memory_space<vmem_shared>>) dst(%dma_wait3A_32 : memref<624x128xf32, #tpu.memory_space<hbm>>)
        tpu.yield
      }) : () -> ()
    } else {
    }
    %eq3A_18 = arith.constant 15 : i32
    %eq3A_19 = arith.cmpi eq, %arg1, %eq3A_18 : i32
    %convert_element_type3A_20 = arith.extui %eq3A_19 : i1 to i32
    %cond3A_21 = arith.constant 0 : i32
    %cond3A_22 = arith.cmpi ne, %convert_element_type3A_20, %cond3A_21 : i32
    scf.if %cond3A_22 {
      "tpu.region"() ({
        %run_scoped3A = tpu.sem_alloc : memref<!tpu.dma_semaphore, #tpu.memory_space<semaphore_mem>>
        %dma_start3A = arith.constant 9360 : i32
        %dma_start3A_23 = arith.constant 0 : i32
        %dma_start3A_24 = tpu.memref_slice %arg6[%arg0, %dma_start3A, %dma_start3A_23] : memref<2x10000x128xf32, #tpu.memory_space<hbm>> -> memref<1x640x128xf32, #tpu.memory_space<hbm>>
        %dma_start3A_25 = tpu.memref_squeeze %dma_start3A_24 : memref<1x640x128xf32, #tpu.memory_space<hbm>> -> memref<640x128xf32, #tpu.memory_space<hbm>>
        %dma_start3A_26 = arith.constant 9360 : i32
        %dma_start3A_27 = arith.constant 0 : i32
        %dma_start3A_28 = tpu.memref_slice %arg13[%dma_start3A_26, %dma_start3A_27] : memref<10000x128xf32, #tpu.memory_space<vmem_shared>> -> memref<640x128xf32, #tpu.memory_space<vmem_shared>>
        tpu.enqueue_dma source(%dma_start3A_28 : memref<640x128xf32, #tpu.memory_space<vmem_shared>>) target(%dma_start3A_25 : memref<640x128xf32, #tpu.memory_space<hbm>>) target_semaphore(%run_scoped3A : memref<!tpu.dma_semaphore, #tpu.memory_space<semaphore_mem>>)
        %dma_wait3A = arith.constant 9360 : i32
        %dma_wait3A_29 = arith.constant 0 : i32
        %dma_wait3A_30 = tpu.memref_slice %arg6[%arg0, %dma_wait3A, %dma_wait3A_29] : memref<2x10000x128xf32, #tpu.memory_space<hbm>> -> memref<1x640x128xf32, #tpu.memory_space<hbm>>
        %dma_wait3A_31 = tpu.memref_squeeze %dma_wait3A_30 : memref<1x640x128xf32, #tpu.memory_space<hbm>> -> memref<640x128xf32, #tpu.memory_space<hbm>>
        %dma_wait3A_32 = arith.constant 9360 : i32
        %dma_wait3A_33 = arith.constant 0 : i32
        %dma_wait3A_34 = tpu.memref_slice %arg13[%dma_wait3A_32, %dma_wait3A_33] : memref<10000x128xf32, #tpu.memory_space<vmem_shared>> -> memref<640x128xf32, #tpu.memory_space<vmem_shared>>
        tpu.wait_dma2 semaphore(%run_scoped3A : memref<!tpu.dma_semaphore, #tpu.memory_space<semaphore_mem>>) src(%dma_wait3A_34 : memref<640x128xf32, #tpu.memory_space<vmem_shared>>) dst(%dma_wait3A_31 : memref<640x128xf32, #tpu.memory_space<hbm>>)
        tpu.yield
      }) : () -> ()
    } else {
    }
    return
  }
}

module attributes {stable_mosaic.version = 14 : i64} {
  func.func @body(%arg0: i32, %arg1: memref<1000x128xf32, #tpu.memory_space<vmem>>, %arg2: memref<1000x128xf32, #tpu.memory_space<vmem>>, %arg3: memref<1000x128xf32, #tpu.memory_space<vmem>>, %arg4: memref<128x128xf32, #tpu.memory_space<vmem>>, %arg5: memref<1x128xf32, #tpu.memory_space<vmem>>, %arg6: memref<128x10xf32, #tpu.memory_space<vmem>>, %arg7: memref<1x10xf32, #tpu.memory_space<vmem>>, %arg8: memref<1000x10xf32, #tpu.memory_space<vmem>>) attributes {dimension_semantics = [#tpu.dimension_semantics<arbitrary>], iteration_bounds = array<i64: 10>, scalar_prefetch = 0 : i64, scratch_operands = 0 : i64, tpu.core_type = #tpu.core_type<tc>, window_params = [{transform_indices = @transform_0, window_bounds = array<i64: 1000, 128>}, {transform_indices = @transform_1, window_bounds = array<i64: 1000, 128>}, {transform_indices = @transform_2, window_bounds = array<i64: 1000, 128>}, {pipeline_mode = #tpu.pipeline_mode<synchronous>, transform_indices = @transform_3, window_bounds = array<i64: 128, 128>}, {pipeline_mode = #tpu.pipeline_mode<synchronous>, transform_indices = @transform_4, window_bounds = array<i64: 1, 128>}, {pipeline_mode = #tpu.pipeline_mode<synchronous>, transform_indices = @transform_5, window_bounds = array<i64: 128, 10>}, {pipeline_mode = #tpu.pipeline_mode<synchronous>, transform_indices = @transform_6, window_bounds = array<i64: 1, 10>}, {transform_indices = @transform_7, window_bounds = array<i64: 1000, 10>}]} {
    %get3A = arith.constant 0 : index
    %get3A_0 = arith.constant 0 : index
    %get3A_1 = vector.load %arg1[%get3A, %get3A_0] : memref<1000x128xf32, #tpu.memory_space<vmem>>, vector<1000x128xf32>
    %get3A_2 = arith.constant 0 : index
    %get3A_3 = arith.constant 0 : index
    %get3A_4 = vector.load %arg2[%get3A_2, %get3A_3] : memref<1000x128xf32, #tpu.memory_space<vmem>>, vector<1000x128xf32>
    %add3A = arith.addf %get3A_1, %get3A_4 : vector<1000x128xf32>
    %get3A_5 = arith.constant 0 : index
    %get3A_6 = arith.constant 0 : index
    %get3A_7 = vector.load %arg3[%get3A_5, %get3A_6] : memref<1000x128xf32, #tpu.memory_space<vmem>>, vector<1000x128xf32>
    %sub3A = arith.subf %add3A, %get3A_7 : vector<1000x128xf32>
    %get3A_8 = arith.constant 0 : index
    %get3A_9 = arith.constant 0 : index
    %get3A_10 = vector.load %arg4[%get3A_8, %get3A_9] : memref<128x128xf32, #tpu.memory_space<vmem>>, vector<128x128xf32>
    %dot_general3A = arith.constant dense<0.000000e+00> : vector<1000x128xf32>
    %dot_general3A_11 = tpu.matmul %sub3A, %get3A_10, %dot_general3A {dimension_numbers = #tpu.dot_dimension_numbers<[1], [0], [0], [1], [0, 0, 1, 1], [], []>, transpose_lhs_hint = false} : vector<1000x128xf32>, vector<128x128xf32>, vector<1000x128xf32> -> vector<1000x128xf32>
    %get3A_12 = arith.constant 0 : index
    %get3A_13 = arith.constant 0 : index
    %get3A_14 = vector.load %arg5[%get3A_12, %get3A_13] : memref<1x128xf32, #tpu.memory_space<vmem>>, vector<1x128xf32>
    %add3A_15 = vector.broadcast %get3A_14 : vector<1x128xf32> to vector<1000x128xf32>
    %add3A_16 = arith.addf %dot_general3A_11, %add3A_15 : vector<1000x128xf32>
    %max3A = arith.constant 0.000000e+00 : f32
    %max3A_17 = vector.broadcast %max3A : f32 to vector<1000x128xf32>
    %max3A_18 = arith.maximumf %add3A_16, %max3A_17 : vector<1000x128xf32>
    %get3A_19 = arith.constant 0 : index
    %get3A_20 = arith.constant 0 : index
    %get3A_21 = vector.load %arg6[%get3A_19, %get3A_20] : memref<128x10xf32, #tpu.memory_space<vmem>>, vector<128x10xf32>
    %dot_general3A_22 = arith.constant dense<0.000000e+00> : vector<1000x10xf32>
    %dot_general3A_23 = tpu.matmul %max3A_18, %get3A_21, %dot_general3A_22 {dimension_numbers = #tpu.dot_dimension_numbers<[1], [0], [0], [1], [0, 0, 1, 1], [], []>, transpose_lhs_hint = false} : vector<1000x128xf32>, vector<128x10xf32>, vector<1000x10xf32> -> vector<1000x10xf32>
    %get3A_24 = arith.constant 0 : index
    %get3A_25 = arith.constant 0 : index
    %get3A_26 = vector.load %arg7[%get3A_24, %get3A_25] : memref<1x10xf32, #tpu.memory_space<vmem>>, vector<1x10xf32>
    %add3A_27 = vector.broadcast %get3A_26 : vector<1x10xf32> to vector<1000x10xf32>
    %add3A_28 = arith.addf %dot_general3A_23, %add3A_27 : vector<1000x10xf32>
    %swap3A = arith.constant 0 : index
    %swap3A_29 = arith.constant 0 : index
    %swap3A_30 = vector.load %arg8[%swap3A, %swap3A_29] : memref<1000x10xf32, #tpu.memory_space<vmem>>, vector<1000x10xf32>
    tpu.vector_store %arg8[%swap3A, %swap3A_29], %add3A_28 {strides = array<i32>} : memref<1000x10xf32, #tpu.memory_space<vmem>>, vector<1000x10xf32>,
    return
  }
  func.func @transform_0(%arg0: i32) -> (i32, i32) {
    %c0_i32 = arith.constant 0 : i32
    %c0_i32_0 = arith.constant 0 : i32
    return %arg0, %c0_i32 : i32, i32
  }
  func.func @transform_1(%arg0: i32) -> (i32, i32) {
    %c0_i32 = arith.constant 0 : i32
    %c0_i32_0 = arith.constant 0 : i32
    return %arg0, %c0_i32 : i32, i32
  }
  func.func @transform_2(%arg0: i32) -> (i32, i32) {
    %c0_i32 = arith.constant 0 : i32
    %c0_i32_0 = arith.constant 0 : i32
    return %arg0, %c0_i32 : i32, i32
  }
  func.func @transform_3(%arg0: i32) -> (i32, i32) {
    %c0_i32 = arith.constant 0 : i32
    %c0_i32_0 = arith.constant 0 : i32
    %c0_i32_1 = arith.constant 0 : i32
    return %c0_i32, %c0_i32_0 : i32, i32
  }
  func.func @transform_4(%arg0: i32) -> (i32, i32) {
    %c0_i32 = arith.constant 0 : i32
    %c0_i32_0 = arith.constant 0 : i32
    %c0_i32_1 = arith.constant 0 : i32
    return %c0_i32, %c0_i32_0 : i32, i32
  }
  func.func @transform_5(%arg0: i32) -> (i32, i32) {
    %c0_i32 = arith.constant 0 : i32
    %c0_i32_0 = arith.constant 0 : i32
    %c0_i32_1 = arith.constant 0 : i32
    return %c0_i32, %c0_i32_0 : i32, i32
  }
  func.func @transform_6(%arg0: i32) -> (i32, i32) {
    %c0_i32 = arith.constant 0 : i32
    %c0_i32_0 = arith.constant 0 : i32
    %c0_i32_1 = arith.constant 0 : i32
    return %c0_i32, %c0_i32_0 : i32, i32
  }
  func.func @transform_7(%arg0: i32) -> (i32, i32) {
    %c0_i32 = arith.constant 0 : i32
    %c0_i32_0 = arith.constant 0 : i32
    return %arg0, %c0_i32 : i32, i32
  }
}

</mosaic_0001>

<sc_bundles>
// kernel: kernel.4.cloned.1.call-start
scs
__scs_entry_jumppad:
0x0: {  	(pc) =	sbr.rel $0x88, $3  }
0x1: {  	(tag) =	ssettag $0x0;
	lr =	simm.s32 $0x1  }
0x2: {  	[smem:$0x3F9B] =	sst lr;
	_ =	strace $0xD0000000  }
0x3: {  	_ = 	snop  }
0x4: {  	_ = 	snop  }
0x5: {  	_ = 	snop  }
0x6: {  	_ = 	snop  }
0x7: {  	_ = 	snop  }
__scs_overlays_trampoline_lowered:
0x8: {  	[smem:$0x3FAA] =	sst s0  }
0x9: {  	[smem:$0x3FAB] =	sst s1  }
0xa: {  	[smem:$0x3FAC] =	sst s2  }
0xb: {  	[smem:$0x3FAD] =	sst s3  }
0xc: {  	[smem:$0x3FAE] =	sst s4  }
0xd: {  	[smem:$0x3FAF] =	sst s5  }
0xe: {  	[smem:$0x3FB0] =	sst s6  }
0xf: {  	[smem:$0x3FB1] =	sst s7  }
0x10: {  	[smem:$0x3FB2] =	sst s8  }
0x11: {  	[smem:$0x3FB3] =	sst s9;
	s0 =	simm.s32 @!p0 $0x0  }
0x12: {  	s1 =	sld [smem:$0x3F99];
	s0 =	simm.s32 @p0 $0x1  }
0x13: {  	[smem:$0x3FB4] =	sst s0;
	s0 =	simm.s32 @!p1 $0x0  }
0x14: {  	s2 =	sld [smem:$0x3F98];
	s0 =	simm.s32 @p1 $0x1  }
0x15: {  	[smem:$0x3FB5] =	sst s0;
	s0 =	simm.s32 @!p2 $0x0  }
0x16: {  	s3 =	sld [smem:$0x3FDB];
	s0 =	simm.s32 @p2 $0x1  }
0x17: {  	s4 =	simm.s32 $0x1BF5;
	[smem:$0x3FB7] =	sst s0  }
0x18: {  	s0 =	sld [smem:$0x3F9A];
	_ =	swait.ge [sflag:s4], $0x0  }
0x19: {  	s7 =	sld [smem:$0x3F9B]  }
0x1a: {  	s8 =	sadd.s32 $0xFFFFE003, lr  }
0x1b: {  	s9 =	sadd.s32 $0xFFFFFEF7, lr;
	s5 =	simm.s32 $0xFFFFFFFF;
	p2 =	slt.u32 s8, $0xFFFFF086  }
0x1c: {  	p1 =	slt.u32 s9, $0xF7A;
	s5 =	simm.s32 @!p2 $0x0  }
0x1d: {  	s5 =	simm.s32 @p1 $0x1;
	p0 =	seq.s32 s7, s2  }
0x1e: {  	s7 =	smul.u32 @!p0 $0xF7A, s2;
	p2 =	seq.s32 @!p0 s5, $0x0  }
0x1f: {  	s9 =	smul.u32 $0xF7A, s1;
	s8 =	simm.s32 @!p0 $0x1BF5;
	p2 =	por !p2, p0  }
0x20: {  	[sflag:s8] =	ssyncset.s32 @!p0 $0xFFFFF086;
	s6 =	sadd.s32 @!p0 s3, s7;
	s7 =	simm.s32 @!p0 $0x108  }
0x21: {  	s3 =	sadd.s32 s3, s9;
	s6 =	sadd.s32 @!p0 $0x88, s6;
	s7 =	simm.s32 @p2 $0x1082  }
0x22: {  	[simem:s7], [sflag:s8] =	dma.local @!p0 [hbm:s6], $0xF7A  }
0x23: {  	s9 =	sor.u32 $0xD0000000, s2;
	s6 =	simm.s32 $0x108;
	_ =	swait.ge @!p0 [sflag:s8], $0x0  }
0x24: {  	s3 =	sadd.s32 $0x88, s3;
	s6 =	simm.s32 @!p1 $0x1082;
	[sflag:s4] =	ssyncset.s32 $0xFFFFF086  }
0x25: {  	[simem:s6], [sflag:s4] =	dma.local [hbm:s3], $0xF7A  }
0x26: {  	[smem:$0x3F9B] =	sst s1;
	(tag) =	ssettag s2;
	_ =	strace s9  }
0x27: {  	s1 =	sld [smem:$0x3FAB]  }
0x28: {  	s2 =	sld [smem:$0x3FAC]  }
0x29: {  	s4 =	sld [smem:$0x3FAE]  }
0x2a: {  	p0 =	seq.s32 s5, $0x0;
	s5 =	sld [smem:$0x3FAF]  }
0x2b: {  	s6 =	sld [smem:$0x3FB0]  }
0x2c: {  	s7 =	sld [smem:$0x3FB1]  }
0x2d: {  	s3 =	simm.s32 $0x108;
	s8 =	sld [smem:$0x3FB2]  }
0x2e: {  	s3 =	simm.s32 @!p0 $0x1082;
	s9 =	sld [smem:$0x3FB3]  }
0x2f: {  	lr =	sadd.s32 s0, s3;
	s0 =	sld [smem:$0x3FAA]  }
0x30: {  	s3 =	sld [smem:$0x3FAD]  }
0x31: {  	[smem:$0x3FB6] =	sst s10  }
0x32: {  	s10 =	sld [smem:$0x3FB4];
	_ =	sdelay $0x3  }
0x33: {  	p0 =	seq.s32 s10, $0x1;
	s10 =	sld [smem:$0x3FB6];
	_ =	sdelay $0x3  }
0x34: {  	[smem:$0x3FB6] =	sst s10  }
0x35: {  	s10 =	sld [smem:$0x3FB5];
	_ =	sdelay $0x3  }
0x36: {  	p1 =	seq.s32 s10, $0x1;
	s10 =	sld [smem:$0x3FB6];
	_ =	sdelay $0x3  }
0x37: {  	[smem:$0x3FB6] =	sst s10  }
0x38: {  	s10 =	sld [smem:$0x3FB7]  }
0x39: {  	_ = 	snop;
	(pc) =	sbr.ind lr, $3  }
0x3a: {  	_ = 	snop  }
0x3b: {  	_ = 	snop  }
0x3c: {  	p2 =	seq.s32 s10, $0x1;
	s10 =	sld [smem:$0x3FB6]  }
0x3d: {  	_ =	shalt  }
0x3e: {  	_ =	shalt  }
0x3f: {  	_ =	shalt  }
0x40: {  	_ =	shalt  }
0x41: {  	_ =	shalt  }
0x42: {  	_ =	shalt  }
0x43: {  	_ =	shalt  }
0x44: {  	_ =	shalt  }
0x45: {  	_ =	shalt  }
0x46: {  	_ =	shalt  }
0x47: {  	_ =	shalt  }
0x48: {  	_ =	shalt  }
0x49: {  	_ =	shalt  }
0x4a: {  	_ =	shalt  }
0x4b: {  	_ =	shalt  }
0x4c: {  	_ =	shalt  }
0x4d: {  	_ =	shalt  }
0x4e: {  	_ =	shalt  }
0x4f: {  	_ =	shalt  }
0x50: {  	_ =	shalt  }
0x51: {  	_ =	shalt  }
0x52: {  	_ =	shalt  }
0x53: {  	_ =	shalt  }
0x54: {  	_ =	shalt  }
0x55: {  	_ =	shalt  }
0x56: {  	_ =	shalt  }
0x57: {  	_ =	shalt  }
0x58: {  	_ =	shalt  }
0x59: {  	_ =	shalt  }
0x5a: {  	_ =	shalt  }
0x5b: {  	_ =	shalt  }
0x5c: {  	_ =	shalt  }
0x5d: {  	_ =	shalt  }
0x5e: {  	_ =	shalt  }
0x5f: {  	_ =	shalt  }
0x60: {  	_ =	shalt  }
0x61: {  	_ =	shalt  }
0x62: {  	_ =	shalt  }
0x63: {  	_ =	shalt  }
0x64: {  	_ =	shalt  }
0x65: {  	_ =	shalt  }
0x66: {  	_ =	shalt  }
0x67: {  	_ =	shalt  }
0x68: {  	_ =	shalt  }
0x69: {  	_ =	shalt  }
0x6a: {  	_ =	shalt  }
0x6b: {  	_ =	shalt  }
0x6c: {  	_ =	shalt  }
0x6d: {  	_ =	shalt  }
0x6e: {  	_ =	shalt  }
0x6f: {  	_ =	shalt  }
0x70: {  	_ =	shalt  }
0x71: {  	_ =	shalt  }
0x72: {  	_ =	shalt  }
0x73: {  	_ =	shalt  }
0x74: {  	_ =	shalt  }
0x75: {  	_ =	shalt  }
0x76: {  	_ =	shalt  }
0x77: {  	_ =	shalt  }
0x78: {  	_ =	shalt  }
0x79: {  	_ =	shalt  }
0x7a: {  	_ =	shalt  }
0x7b: {  	_ =	shalt  }
0x7c: {  	_ =	shalt  }
0x7d: {  	_ =	shalt  }
0x7e: {  	_ =	shalt  }
0x7f: {  	_ =	shalt  }
0x80: {  	_ =	shalt  }
0x81: {  	_ =	shalt  }
0x82: {  	_ =	shalt  }
0x83: {  	_ =	shalt  }
0x84: {  	_ =	shalt  }
0x85: {  	_ =	shalt  }
0x86: {  	_ =	shalt  }
0x87: {  	_ =	shalt  }
.Lfunc_end0:
.L_simem_size_0:
called_computation_lowered:
.L_overlay_start_0:
0x88: {  	s2 =	sld [smem:$0x3FD9]  }
0x89: {  	s3 =	sld [smem:$0x3FFE];
	_ =	sdelay $0x1  }
0x8a: {  	s1 =	srdreg.scid  }
0x8b: {  	s0 =	sand.u32 $0x1, s1  }
0x8c: {  	s17 =	sshll.u32 s0, $0xA;
	s2 =	sadd.s32 s3, s2  }
0x8d: {  	s2 =	sadd.s32 s2, s17  }
0x8e: {  	[smem:$0x3FC2] =	sst s2  }
0x8f: {  	_ = 	snop  }
0x90: {  	s2 =	sld [smem:$0x3FC9];
	(tm) =	ssettm $0x1  }
0x91: {  	s18 =	sld [smem:$0x3FFB];
	_ =	sdelay $0x3  }
0x92: {  	_ =	strace s18  }
0x93: {  	s3 =	sld [smem:$0x3FFC];
	_ =	sdelay $0x3  }
0x94: {  	_ =	strace s3  }
0x95: {  	s3 =	sld [smem:$0x3FFD];
	_ =	sdelay $0x3  }
0x96: {  	_ =	strace s3  }
0x97: {  	_ =	strace $0x8FFFFFFF  }
0x98: {  	s19 =	sld [smem:$0x3FDB];
	_ =	sdelay $0x1  }
0x99: {  	s4 =	simm.s32 $_scs_section_size  }
0x9a: {  	s5 =	simm.s32 $_size__tile_overlayer_lowered;
	s6 =	simm.s32 $_tile_overlayer_lowered  }
0x9b: {  	s22 =	simm.s32 $0x1BFF;
	s21 =	sshll.u32 s6, $0x1;
	s3 =	sadd.s32 s4, s19  }
0x9c: {  	s7 =	simm.s32 $0x0;
	s20 =	sshll.u32 s5, $0x1;
	s5 =	sadd.s32 s21, s3  }
0x9d: {  	[timem:s7], [sflag:s22] =	dma.local [hbm:s5], s20  }
0x9e: {  	_ =	swait.ge [sflag:s22], s20  }
0x9f: {  	s4 =	ssub.s32 $0x0, s20;
	[sflag:s22] =	ssyncset.done $0x0  }
0xa0: {  	[sflag:s22] =	ssyncadd.s32 s4;
	_ =	sdelay $0x1  }
0xa1: {  	s23 =	simm.s32 $0x1B8B  }
0xa2: {  	_ =	swait.ge [sflag:s23], $0x1  }
0xa3: {  	[sflag:s23] =	ssyncset.done $0x0  }
0xa4: {  	s25 =	simm.s32 $0x1B8E;
	s24 =	sld [smem:$0x3FFE];
	[sflag:s23] =	ssyncadd.s32 $0xFFFFFFFF  }
0xa5: {  	s26 =	simm.s32 $execute0_lowered;
	[smem:$0x3FD2] =	sst s25  }
0xa6: {  	s5 =	sshll.u32 s26, $0x1;
	_ =	strace $0x80000046;
	[dreg:$0x1] =	wrdreg $0xFFFFFFFF  }
0xa7: {  	s28 =	simm.s32 $_size_execute0_lowered;
	s3 =	sadd.s32 s3, s5;
	[dreg:$0x0] =	wrdreg $0x0  }
0xa8: {  	s5 =	sshll.u32 s28, $0x1;
	[dreg:$0x2] =	wrdreg s3  }
0xa9: {  	[dreg:$0x3] =	wrdreg s5  }
0xaa: {  	[dreg:$0x4] =	wrdreg $0xC0  }
0xab: {  	_ =	task [dreg:s7], $0x5FFFF  }
0xac: {  	[dreg:$0x1] =	wrdreg $0xFFFFFFFF  }
0xad: {  	[dreg:$0x0] =	wrdreg $0x60  }
0xae: {  	[dreg:$0x2] =	wrdreg s2  }
0xaf: {  	[dreg:$0x3] =	wrdreg s24  }
0xb0: {  	[dreg:$0x4] =	wrdreg $0xA6E00  }
0xb1: {  	[dreg:$0x5] =	wrdreg $0x9  }
0xb2: {  	_ =	task.clear_ibuf [dreg:s7], $0x6FFFF;
	_ =	strace $0x90000046  }
0xb3: {  	s29 =	simm.s32 $0x9;
	_ =	strace $0x80000048  }
0xb4: {  	_ =	swait.ge [sflag:s29], $0x1  }
0xb5: {  	[sflag:s29] =	ssyncadd.s32 $0xFFFFFFFF  }
0xb6: {  	_ =	strace $0x90000048  }
0xb7: {  	_ =	sfence  }
0xb8: {  	s30 =	sld [smem:$0x0];
	_ =	sdelay $0x2  }
0xb9: {  	s31 =	sshll.u32 s1, $0xD;
	s1 =	sshrl.u32 s1, $0x2  }
0xba: {  	s3 =	sand.u32 $0x4000, s31;
	s1 =	sadd.s32 s1, s30  }
0xbb: {  	s0 =	sor.u32 s3, s0;
	s1 =	sshll.u32 s1, $0x11  }
0xbc: {  	s0 =	sor.u32 s1, s0  }
0xbd: {  	s0 =	sadd.s32 $0x8F2B, s0  }
0xbe: {  	[sflag:s0] =	ssyncadd.remote.s32 $0x1  }
0xbf: {  	_ =	sfence.sel $0xFFFF  }
0xc0: {  	[dreg:$0x0] =	wrdreg $0xFFFFFFFF;
	(pc) =	sbr.abs _section_cstart, $3  }
0xc1: {  	[dreg:$0x1] =	wrdreg $0xFFFFFFFF  }
0xc2: {  	_ =	task.clear_ibuf [dreg:s7], $0x2FFFF;
	_ =	strace $0x9FFFFFFF  }
0xc3: {  	(tm) =	ssettm $0x7FFFFFFF  }
tec
execute0_lowered:
.L_overlay_start_1:
0x0: {  	(tag) =	ssettag $0x1  }
0x1: {  	s1 =	rddreg [dreg:$0x0]  }
0x2: {  	s0 =	srdreg.scid;
	s3 =	rddreg [dreg:$0x1]  }
0x3: {  	s14 =	stileid.u32;
	s2 =	rddreg [dreg:$0x2];
	s5 =	simm.s32 $0x0  }
0x4: {  	s16 =	simm.s32 $0x5;
	s17 =	simm.s32 $0x2710;
	s18 =	simm.s32 $0x50  }
0x5: {  	s19 =	simm.s32 $0x2EE0;
	s20 =	simm.s32 $0x42E0;
	s21 =	simm.s32 $0x1  }
0x6: {  	s22 =	simm.s32 $0x2E90;
	s23 =	simm.s32 $0x56E0;
	s24 =	simm.s32 $0x3  }
0x7: {  	s25 =	simm.s32 $0x4;
	s26 =	simm.s32 $0x2;
	s28 =	simm.s32 $0x7EE0  }
0x8: {  	s29 =	simm.s32 $0x0;
	s0 =	sand.u32 $0x1, s0;
	[smem:$0x7FF] =	sst s5  }
0x9: {  	s5 =	sadd.s32 $0x14600, s3;
	s9 =	smul.u32 $0x13800, s14;
	s13 =	sadd.s32 $0x124800, s2  }
0xa: {  	p0 =	seq.s32 s14, $0xF;
	s4 =	sshll.u32 s0, $0x4;
	_ =	strace $0x80000047  }
0xb: {  	s8 =	ssub.s32 $0x2, s0;
	s0 =	smul.u32 $0x138800, s0;
	s13 =	sshrl.u32 @p0 s13, $0x3  }
0xc: {  	s4 =	sor.u32 s14, s4;
	s10 =	sshrl.u32 s8, $0x1;
	s30 =	sshrl.u32 s9, $0x3  }
0xd: {  	s15 =	sadd.s32 s9, s2;
	s4 =	smul.u32 $0x2710, s4;
	s8 =	ssub.s32 s8, s10  }
0xe: {  	s10 =	sadd.s32 s1, s30;
	s1 =	sadd.s32 $0x24900, s1;
	s31 =	sadd.s32 s9, s0  }
0xf: {  	s0 =	sshrl.u32 s0, $0x3;
	s15 =	sshrl.u32 @!p0 s15, $0x3;
	[dreg:$0x4] =	wrdreg s10  }
.Ltmp0:
0x10: {  	[dreg:$0x5] =	wrdreg s1;
	s6 =	sshrl.u32 s4, $0x3;
	(pc) =	sbr.rel .LBB2_1-.Ltmp0, $4  }
0x11: {  	s7 =	sadd.s32 s6, s3;
	s6 =	sadd.s32 $0xA00, s3;
	s3 =	sadd.s32 $0x28000, s3  }
0x12: {  	s1 =	sshrl.u32 s31, $0x3;
	s12 =	smax.u32 s8, $0x1;
	s0 =	sadd.s32 s3, s0  }
0x13: {  	s7 =	sadd.s32 $0xA800, s7;
	s11 =	sadd.s32 $0x24900, s0;
	s0 =	sshll.u32 @!p0 s14, $0x6  }
0x14: {  	s10 =	sadd.s32 s3, s1;
	[dreg:$0x6] =	wrdreg s7;
	s14 =	sor.u32 @!p0 $0x1C05, s0  }
.LBB2_13:
0x15: {  	[bflag:$0x0] =	sbarrier.arrive $0xFFFF;
	s0 =	simm.s32 @p0 $0x1FC5  }
0x16: {  	[hbm:s11], [sflag:s0] =	dma.local @p0 [spmem:s13], $0x2800  }
0x17: {  	s0 =	simm.s32 @p0 $0x5  }
0x18: {  	s29 =	sadd.s32 $0x1, s29;
	_ =	swait.ge @p0 [sflag:s0], $0x2800  }
0x19: {  	p1 =	sne.s32 s29, s12;
	[sflag:s0] =	ssyncset.done @p0 $0x0  }
.Ltmp1:
0x1a: {  	[sflag:s0] =	ssyncadd.s32 @p0 $0xFFFFD800;
	s0 =	simm.s32 @!p0 $0x5;
	(pc) =	sbr.rel @!p1 .LBB2_14-.Ltmp1, $4  }
0x1b: {  	[hbm:s10], [sflag:s14] =	dma.local @!p0 [spmem:s15], $0x2700  }
0x1c: {  	_ =	swait.ge @!p0 [sflag:s0], $0x2700  }
0x1d: {  	[sflag:s0] =	ssyncset.done @!p0 $0x0  }
0x1e: {  	[sflag:s0] =	ssyncadd.s32 @!p0 $0xFFFFD900  }
.LBB2_1:
0x1f: {  	s0 =	simm.s32 @p0 $0x1FC5;
	s1 =	rddreg [dreg:$0x5]  }
0x20: {  	[spmem:s13], [sflag:s0] =	dma.local @p0 [hbm:s1], $0x2800  }
0x21: {  	s0 =	simm.s32 @p0 $0x5  }
0x22: {  	_ =	swait.ge @p0 [sflag:s0], $0x2800  }
0x23: {  	[sflag:s0] =	ssyncset.done @p0 $0x0  }
0x24: {  	[sflag:s0] =	ssyncadd.s32 @p0 $0xFFFFD800;
	s0 =	rddreg [dreg:$0x4]  }
0x25: {  	[spmem:s15], [sflag:s14] =	dma.local @!p0 [hbm:s0], $0x2700  }
0x26: {  	s0 =	simm.s32 @!p0 $0x5  }
0x27: {  	_ =	swait.ge @!p0 [sflag:s0], $0x2700  }
0x28: {  	[sflag:s0] =	ssyncset.done @!p0 $0x0  }
0x29: {  	s9 =	simm.s32 $0x0;
	s31 =	rddreg [dreg:$0x6];
	[sflag:s0] =	ssyncadd.s32 @!p0 $0xFFFFD900  }
0x2a: {  	[tilespmem:s9], [sflag:$0x5] =	stream.linear.gather [hbm4b:s31+s9], $0x2710, $0x38;
	[tilespmem:$0x1DF60] =	vst v63  }
.Ltmp2:
0x2b: {  	_ =	swait.ge [sflag:s16], $0x2710;
	(pc) =	sbr.rel .LBB2_2-.Ltmp2, $4  }
0x2c: {  	[sflag:s16] =	ssyncset.done $0x0  }
0x2d: {  	[sflag:s16] =	ssyncadd.s32 $0xFFFFD8F0  }
0x2e: {  	[bflag:$0x0] =	sbarrier.arrive $0xFFFF  }
0x2f: {  	s30 =	simm.s32 $0x0  }
.LBB2_6:
0x30: {  	[spmem:s2] =	stream.indirect.scatter.add.f32 [tilespmem:s23], [sflag:$0x3], $0x80, s22, s18, $0xb8;
	[tilespmem:$0x1DF60] =	vst v63  }
.LBB2_12:
0x31: {  	s30 =	sadd.s32 $0x1, s30  }
0x32: {  	_ =	swait.ge [sflag:s24], $0x2800;
	p1 =	sne.s32 s30, $0x5  }
.Ltmp3:
0x33: {  	[sflag:s24] =	ssyncset.done $0x0;
	(pc) =	sbr.rel @!p1 .LBB2_13-.Ltmp3, $4  }
0x34: {  	[sflag:s24] =	ssyncadd.s32 $0xFFFFD800  }
0x35: {  	_ =	swait.ge [sflag:s25], $0x2800  }
0x36: {  	[sflag:s25] =	ssyncset.done $0x0  }
0x37: {  	[sflag:s25] =	ssyncadd.s32 $0xFFFFD800  }
.LBB2_2:
0x38: {  	s0 =	smul.u32 $0x7D0, s30;
	_ =	sdelay $0x1  }
0x39: {  	s1 =	sadd.s32 s4, s0  }
0x3a: {  	s1 =	sshrl.u32 s1, $0x3  }
0x3b: {  	s31 =	simm.s32 $0x0;
	s1 =	sadd.s32 s6, s1  }
0x3c: {  	[tilespmem:s17], [sflag:$0x5] =	stream.linear.gather [hbm4b:s1+s31], $0x7D0, $0x38;
	[tilespmem:$0x1DF60] =	vst v63  }
0x3d: {  	s8 =	smul.u32 $0x1F40, s30;
	_ =	swait.ge [sflag:s16], $0x7D0  }
.Ltmp4:
0x3e: {  	[sflag:s16] =	ssyncset.done $0x0;
	(pc) =	sbr.rel .LBB2_3-.Ltmp4, $4  }
0x3f: {  	s9 =	sshra.s32 s8, $0x2;
	[sflag:s16] =	ssyncadd.s32 $0xFFFFF830  }
0x40: {  	[tilespmem:s19], [sflag:$0x1] =	stream.indirect.gather [hbm4b:s5+s18], $0x40, s0, s18, $0xb8;
	[tilespmem:$0x1DF60] =	vst v63  }
0x41: {  	s1 =	smul.u32 $0x19, s30;
	s0 =	sadd.s32 $0x50, s9  }
0x42: {  	[tilespmem:s20], [sflag:$0x2] =	stream.indirect.gather [hbm4b:s5+s18], $0x40, s0, s18, $0xb8;
	[tilespmem:$0x1DF60] =	vst v63  }
.LBB2_11:
0x43: {  	s31 =	sadd.s32 $0x1, s31  }
0x44: {  	p1 =	sne.s32 s31, $0xD  }
.Ltmp5:
0x45: {  	_ = 	snop;
	(pc) =	sbr.rel @!p1 .LBB2_12-.Ltmp5, $1  }
0x46: {  	_ =	sdelay $0x3  }
.LBB2_3:
0x47: {  	_ =	swait.ge [sflag:s21], $0x1400  }
0x48: {  	p1 =	seq.s32 s31, $0x0;
	[sflag:s21] =	ssyncset.done $0x0  }
0x49: {  	s0 =	simm.s32 @!p1 $0x3;
	[sflag:s21] =	ssyncadd.s32 $0xFFFFEC00  }
0x4a: {  	_ =	swait.ge @!p1 [sflag:s0], $0x2800  }
0x4b: {  	[sflag:s0] =	ssyncset.done @!p1 $0x0  }
0x4c: {  	s3 =	simm.s32 $0x2FE0;
	[sflag:s0] =	ssyncadd.s32 @!p1 $0xFFFFD800  }
0x4d: {  	v0 =	vld [tilespmem:s3+$0xC0];
	_ =	sdelay $0x1  }
0x4e: {  	v1 =	vld [tilespmem:s3+$0xFFFFFF40];
	_ =	sdelay $0x1  }
0x4f: {  	v2 =	vld [tilespmem:s3+$0xFFFFFF80]  }
0x50: {  	s0 =	simm.s32 $0x58E0;
	v3 =	vshll.u32 v0, $0x10  }
0x51: {  	v4 =	vld [tilespmem:s3+$0xFFFFFFC0];
	v0 =	vand.u32 $0xFFFF0000, v0;
	[tilespmem:s0+$0x180] =	vst v3  }
0x52: {  	v5 =	vld [tilespmem:s3+$0xFFFFFF00];
	v3 =	vshll.u32 v1, $0x10;
	[tilespmem:s0+$0x190] =	vst v0  }
0x53: {  	v0 =	vand.u32 $0xFFFF0000, v1;
	[tilespmem:s0+$0xFFFFFE80] =	vst v3;
	v1 =	vld [tilespmem:s3+$0xD0]  }
0x54: {  	v3 =	vshll.u32 v2, $0x10;
	[tilespmem:s0+$0xFFFFFE90] =	vst v0  }
0x55: {  	v0 =	vand.u32 $0xFFFF0000, v2;
	[tilespmem:s0+$0xFFFFFF00] =	vst v3  }
0x56: {  	v2 =	vshll.u32 v4, $0x10;
	[tilespmem:s0+$0xFFFFFF10] =	vst v0  }
0x57: {  	v0 =	vld [tilespmem:s3+$0x0];
	v3 =	vshll.u32 v5, $0x10;
	[tilespmem:s0+$0xFFFFFF80] =	vst v2  }
0x58: {  	[tilespmem:s0+$0xFFFFFE00] =	vst v3;
	v2 =	vshll.u32 v1, $0x10  }
0x59: {  	v3 =	vld [tilespmem:s3+$0x40];
	v1 =	vand.u32 $0xFFFF0000, v1;
	[tilespmem:s0+$0x1A0] =	vst v2  }
0x5a: {  	v2 =	vand.u32 $0xFFFF0000, v5;
	[tilespmem:s0+$0x1B0] =	vst v1  }
0x5b: {  	v1 =	vand.u32 $0xFFFF0000, v4;
	[tilespmem:s0+$0xFFFFFE10] =	vst v2;
	v2 =	vld [tilespmem:s3+$0xE0]  }
0x5c: {  	v4 =	vshll.u32 v0, $0x10;
	[tilespmem:s0+$0xFFFFFF90] =	vst v1  }
0x5d: {  	v0 =	vand.u32 $0xFFFF0000, v0;
	v1 =	vld [tilespmem:s3+$0x80];
	[tilespmem:s0+$0x0] =	vst v4  }
0x5e: {  	v4 =	vshll.u32 v3, $0x10;
	[tilespmem:s0+$0x10] =	vst v0  }
0x5f: {  	v0 =	vand.u32 $0xFFFF0000, v3;
	v3 =	vld [tilespmem:s3+$0xFFFFFF10];
	[tilespmem:s0+$0x80] =	vst v4  }
0x60: {  	[tilespmem:s0+$0x90] =	vst v0;
	v0 =	vshll.u32 v2, $0x10  }
0x61: {  	v4 =	vld [tilespmem:s3+$0xFFFFFF50];
	v2 =	vand.u32 $0xFFFF0000, v2;
	[tilespmem:s0+$0x1C0] =	vst v0  }
0x62: {  	v0 =	vshll.u32 v1, $0x10;
	[tilespmem:s0+$0x1D0] =	vst v2  }
0x63: {  	v1 =	vand.u32 $0xFFFF0000, v1;
	v2 =	vld [tilespmem:s3+$0xFFFFFF90];
	[tilespmem:s0+$0x100] =	vst v0  }
0x64: {  	v5 =	vshll.u32 v3, $0x10;
	v0 =	vld [tilespmem:s3+$0xF0];
	[tilespmem:s0+$0x110] =	vst v1  }
0x65: {  	v1 =	vand.u32 $0xFFFF0000, v3;
	[tilespmem:s0+$0xFFFFFE20] =	vst v5;
	v5 =	vld [tilespmem:s3+$0xFFFFFFD0]  }
0x66: {  	v3 =	vshll.u32 v4, $0x10;
	[tilespmem:s0+$0xFFFFFE30] =	vst v1  }
0x67: {  	v1 =	vand.u32 $0xFFFF0000, v4;
	[tilespmem:s0+$0xFFFFFEA0] =	vst v3;
	v3 =	vld [tilespmem:s3+$0x10]  }
0x68: {  	[tilespmem:s0+$0xFFFFFEB0] =	vst v1;
	v4 =	vshll.u32 v2, $0x10  }
0x69: {  	v1 =	vand.u32 $0xFFFF0000, v0;
	[tilespmem:s0+$0xFFFFFF20] =	vst v4  }
0x6a: {  	v4 =	vshll.u32 v5, $0x10;
	[tilespmem:s0+$0x1F0] =	vst v1;
	v1 =	vand.u32 $0xFFFF0000, v2;
	v2 =	vld [tilespmem:s3+$0x50]  }
0x6b: {  	[tilespmem:s0+$0xFFFFFFA0] =	vst v4  }
0x6c: {  	v4 =	vshll.u32 v3, $0x10;
	[tilespmem:s0+$0xFFFFFF30] =	vst v1;
	v1 =	vand.u32 $0xFFFF0000, v5;
	v5 =	vld [tilespmem:s3+$0x90]  }
0x6d: {  	[tilespmem:s0+$0x20] =	vst v4  }
0x6e: {  	[tilespmem:s0+$0xFFFFFFB0] =	vst v1;
	v1 =	vand.u32 $0xFFFF0000, v3;
	v3 =	vld [tilespmem:s3+$0xFFFFFF20]  }
0x6f: {  	[tilespmem:s0+$0x30] =	vst v1;
	v4 =	vshll.u32 v2, $0x10  }
0x70: {  	v1 =	vand.u32 $0xFFFF0000, v2;
	v2 =	vld [tilespmem:s3+$0xFFFFFF60];
	[tilespmem:s0+$0xA0] =	vst v4  }
0x71: {  	v4 =	vshll.u32 v5, $0x10;
	[tilespmem:s0+$0xB0] =	vst v1  }
0x72: {  	v1 =	vand.u32 $0xFFFF0000, v5;
	v5 =	vld [tilespmem:s3+$0xFFFFFFA0];
	[tilespmem:s0+$0x120] =	vst v4  }
0x73: {  	v4 =	vshll.u32 v3, $0x10;
	[tilespmem:s0+$0x130] =	vst v1  }
0x74: {  	v1 =	vand.u32 $0xFFFF0000, v3;
	v3 =	vld [tilespmem:s3+$0xFFFFFFE0];
	[tilespmem:s0+$0xFFFFFE40] =	vst v4  }
0x75: {  	[tilespmem:s0+$0xFFFFFE50] =	vst v1;
	v4 =	vshll.u32 v2, $0x10  }
0x76: {  	v1 =	vand.u32 $0xFFFF0000, v2;
	v2 =	vld [tilespmem:s3+$0x20];
	[tilespmem:s0+$0xFFFFFEC0] =	vst v4  }
0x77: {  	v4 =	vshll.u32 v5, $0x10;
	[tilespmem:s0+$0xFFFFFED0] =	vst v1  }
0x78: {  	v1 =	vand.u32 $0xFFFF0000, v5;
	v5 =	vld [tilespmem:s3+$0x60];
	[tilespmem:s0+$0xFFFFFF40] =	vst v4  }
0x79: {  	v4 =	vshll.u32 v3, $0x10;
	[tilespmem:s0+$0xFFFFFF50] =	vst v1  }
0x7a: {  	v1 =	vand.u32 $0xFFFF0000, v3;
	v3 =	vld [tilespmem:s3+$0xA0];
	[tilespmem:s0+$0xFFFFFFC0] =	vst v4  }
0x7b: {  	[tilespmem:s0+$0xFFFFFFD0] =	vst v1;
	v4 =	vshll.u32 v2, $0x10  }
0x7c: {  	v1 =	vand.u32 $0xFFFF0000, v2;
	v2 =	vld [tilespmem:s3+$0xFFFFFF30];
	[tilespmem:s0+$0x40] =	vst v4  }
0x7d: {  	v4 =	vshll.u32 v5, $0x10;
	[tilespmem:s0+$0x50] =	vst v1  }
0x7e: {  	v1 =	vand.u32 $0xFFFF0000, v5;
	v5 =	vld [tilespmem:s3+$0xFFFFFF70];
	[tilespmem:s0+$0xC0] =	vst v4  }
0x7f: {  	v4 =	vshll.u32 v3, $0x10;
	[tilespmem:s0+$0xD0] =	vst v1  }
0x80: {  	v1 =	vand.u32 $0xFFFF0000, v3;
	v3 =	vld [tilespmem:s3+$0xFFFFFFB0];
	[tilespmem:s0+$0x140] =	vst v4  }
0x81: {  	[tilespmem:s0+$0x150] =	vst v1;
	v4 =	vshll.u32 v2, $0x10  }
0x82: {  	v6 =	vld [tilespmem:s3+$0x30];
	v1 =	vand.u32 $0xFFFF0000, v2;
	[tilespmem:s0+$0xFFFFFE60] =	vst v4  }
0x83: {  	v2 =	vld [tilespmem:s3+$0xFFFFFFF0];
	v4 =	vshll.u32 v5, $0x10;
	[tilespmem:s0+$0xFFFFFE70] =	vst v1  }
0x84: {  	v1 =	vand.u32 $0xFFFF0000, v5;
	v5 =	vld [tilespmem:s3+$0x70];
	[tilespmem:s0+$0xFFFFFEE0] =	vst v4  }
0x85: {  	v7 =	vld [tilespmem:s3+$0xB0];
	v4 =	vshll.u32 v3, $0x10;
	[tilespmem:s0+$0xFFFFFEF0] =	vst v1  }
0x86: {  	v1 =	vand.u32 $0xFFFF0000, v3;
	[tilespmem:s0+$0xFFFFFF60] =	vst v4  }
0x87: {  	v8 =	vshll.u32 v6, $0x10;
	[tilespmem:s0+$0xFFFFFF70] =	vst v1  }
0x88: {  	v0 =	vshll.u32 v0, $0x10;
	[tilespmem:s0+$0x60] =	vst v8;
	v3 =	vshll.u32 v2, $0x10  }
0x89: {  	s3 =	sshll.u32 s31, $0x1;
	v1 =	vand.u32 $0xFFFF0000, v6;
	v2 =	vand.u32 $0xFFFF0000, v2;
	[tilespmem:s0+$0xFFFFFFE0] =	vst v3;
	v3 =	vshll.u32 v5, $0x10  }
0x8a: {  	s8 =	simm.s32 $0x0;
	s9 =	simm.s32 $0x31E0;
	s7 =	sadd.s32 s1, s3;
	[tilespmem:s0+$0xFFFFFFF0] =	vst v2;
	v4 =	vand.u32 $0xFFFF0000, v5;
	v5 =	vshll.u32 v7, $0x10;
	v2 =	vand.u32 $0xFFFF0000, v7  }
.LBB2_4:
0x8b: {  	v6 =	vld [tilespmem:s9+$0xC0];
	[tilespmem:s0+$0x70] =	vst v1  }
0x8c: {  	v1 =	vld [tilespmem:s9+$0xFFFFFF40];
	[tilespmem:s0+$0xE0] =	vst v3  }
0x8d: {  	v3 =	vld [tilespmem:s9+$0xFFFFFF80];
	[tilespmem:s0+$0xF0] =	vst v4  }
0x8e: {  	s8 =	sadd.s32 $0x8, s8;
	v4 =	vld [tilespmem:s9+$0xFFFFFFC0];
	[tilespmem:s0+$0x160] =	vst v5  }
0x8f: {  	p2 =	slt.u32 s8, $0x48;
	v5 =	vld [tilespmem:s9+$0x0];
	[tilespmem:s0+$0x170] =	vst v2  }
0x90: {  	v2 =	vld [tilespmem:s9+$0x40];
	v7 =	vshll.u32 v6, $0x10;
	[tilespmem:s0+$0x1E0] =	vst v0;
	s0 =	sadd.s32 $0x400, s0  }
0x91: {  	v6 =	vand.u32 $0xFFFF0000, v6;
	v0 =	vshll.u32 v1, $0x10;
	v1 =	vand.u32 $0xFFFF0000, v1;
	v8 =	vld [tilespmem:s9+$0x80];
	[tilespmem:s0+$0x180] =	vst v7  }
0x92: {  	v7 =	vld [tilespmem:s9+$0xFFFFFF00];
	v9 =	vshll.u32 v3, $0x10;
	v3 =	vand.u32 $0xFFFF0000, v3;
	[tilespmem:s0+$0x190] =	vst v6  }
0x93: {  	[tilespmem:s0+$0xFFFFFE80] =	vst v0;
	v0 =	vshll.u32 v4, $0x10;
	v4 =	vand.u32 $0xFFFF0000, v4;
	v6 =	vld [tilespmem:s9+$0xD0]  }
0x94: {  	[tilespmem:s0+$0xFFFFFE90] =	vst v1;
	v1 =	vshll.u32 v5, $0x10;
	v5 =	vand.u32 $0xFFFF0000, v5  }
0x95: {  	v10 =	vld [tilespmem:s9+$0xFFFFFF50];
	[tilespmem:s0+$0xFFFFFF00] =	vst v9;
	v9 =	vshll.u32 v2, $0x10;
	v2 =	vand.u32 $0xFFFF0000, v2  }
0x96: {  	[tilespmem:s0+$0xFFFFFF10] =	vst v3;
	v3 =	vshll.u32 v8, $0x10;
	v8 =	vand.u32 $0xFFFF0000, v8  }
0x97: {  	v11 =	vshll.u32 v7, $0x10;
	v7 =	vand.u32 $0xFFFF0000, v7;
	v12 =	vld [tilespmem:s9+$0xFFFFFF90];
	[tilespmem:s0+$0xFFFFFF80] =	vst v0  }
0x98: {  	[tilespmem:s0+$0xFFFFFE00] =	vst v11;
	v0 =	vshll.u32 v6, $0x10  }
0x99: {  	v6 =	vand.u32 $0xFFFF0000, v6;
	[tilespmem:s0+$0x1A0] =	vst v0  }
0x9a: {  	v0 =	vshll.u32 v10, $0x10;
	v10 =	vand.u32 $0xFFFF0000, v10;
	[tilespmem:s0+$0x1B0] =	vst v6  }
0x9b: {  	[tilespmem:s0+$0xFFFFFE10] =	vst v7;
	v6 =	vld [tilespmem:s9+$0xE0]  }
0x9c: {  	v7 =	vld [tilespmem:s9+$0xFFFFFF10];
	v11 =	vshll.u32 v12, $0x10;
	v12 =	vand.u32 $0xFFFF0000, v12;
	[tilespmem:s0+$0xFFFFFF90] =	vst v4  }
0x9d: {  	v4 =	vld [tilespmem:s9+$0xFFFFFFD0];
	[tilespmem:s0+$0x0] =	vst v1  }
0x9e: {  	[tilespmem:s0+$0x10] =	vst v5  }
0x9f: {  	v1 =	vld [tilespmem:s9+$0x10];
	[tilespmem:s0+$0x80] =	vst v9  }
0xa0: {  	[tilespmem:s0+$0x90] =	vst v2;
	v2 =	vshll.u32 v6, $0x10  }
0xa1: {  	v6 =	vand.u32 $0xFFFF0000, v6;
	v5 =	vshll.u32 v7, $0x10;
	v7 =	vand.u32 $0xFFFF0000, v7;
	v9 =	vld [tilespmem:s9+$0x50];
	[tilespmem:s0+$0x1C0] =	vst v2  }
0xa2: {  	v2 =	vshll.u32 v4, $0x10;
	v4 =	vand.u32 $0xFFFF0000, v4;
	[tilespmem:s0+$0x1D0] =	vst v6  }
0xa3: {  	[tilespmem:s0+$0x100] =	vst v3;
	v3 =	vld [tilespmem:s9+$0xF0]  }
0xa4: {  	v6 =	vshll.u32 v1, $0x10;
	v1 =	vand.u32 $0xFFFF0000, v1;
	[tilespmem:s0+$0x110] =	vst v8  }
0xa5: {  	[tilespmem:s0+$0xFFFFFE20] =	vst v5;
	v5 =	vld [tilespmem:s9+$0x90]  }
0xa6: {  	[tilespmem:s0+$0xFFFFFE30] =	vst v7;
	v7 =	vshll.u32 v9, $0x10;
	v8 =	vand.u32 $0xFFFF0000, v9  }
0xa7: {  	v9 =	vld [tilespmem:s9+$0xFFFFFF20];
	[tilespmem:s0+$0xFFFFFEA0] =	vst v0  }
0xa8: {  	[tilespmem:s0+$0xFFFFFEB0] =	vst v10;
	v0 =	vshll.u32 v3, $0x10;
	v3 =	vand.u32 $0xFFFF0000, v3  }
0xa9: {  	v10 =	vld [tilespmem:s9+$0xFFFFFF60];
	[tilespmem:s0+$0x1F0] =	vst v3  }
0xaa: {  	[tilespmem:s0+$0xFFFFFF20] =	vst v11;
	v3 =	vshll.u32 v5, $0x10;
	v5 =	vand.u32 $0xFFFF0000, v5  }
0xab: {  	[tilespmem:s0+$0xFFFFFF30] =	vst v12  }
0xac: {  	v11 =	vshll.u32 v9, $0x10;
	v9 =	vand.u32 $0xFFFF0000, v9;
	v12 =	vld [tilespmem:s9+$0xFFFFFFA0];
	[tilespmem:s0+$0xFFFFFFA0] =	vst v2  }
0xad: {  	[tilespmem:s0+$0xFFFFFFB0] =	vst v4  }
0xae: {  	v2 =	vshll.u32 v10, $0x10;
	v4 =	vand.u32 $0xFFFF0000, v10;
	v10 =	vld [tilespmem:s9+$0xFFFFFFE0];
	[tilespmem:s0+$0x20] =	vst v6  }
0xaf: {  	[tilespmem:s0+$0x30] =	vst v1  }
0xb0: {  	v1 =	vld [tilespmem:s9+$0x20];
	[tilespmem:s0+$0xA0] =	vst v7  }
0xb1: {  	v6 =	vshll.u32 v12, $0x10;
	v7 =	vand.u32 $0xFFFF0000, v12;
	[tilespmem:s0+$0xB0] =	vst v8  }
0xb2: {  	v8 =	vld [tilespmem:s9+$0x60];
	[tilespmem:s0+$0x120] =	vst v3  }
0xb3: {  	v3 =	vshll.u32 v10, $0x10;
	v10 =	vand.u32 $0xFFFF0000, v10;
	[tilespmem:s0+$0x130] =	vst v5  }
0xb4: {  	[tilespmem:s0+$0xFFFFFE40] =	vst v11;
	v5 =	vld [tilespmem:s9+$0xA0]  }
0xb5: {  	[tilespmem:s0+$0xFFFFFE50] =	vst v9;
	v9 =	vshll.u32 v1, $0x10;
	v1 =	vand.u32 $0xFFFF0000, v1  }
0xb6: {  	v11 =	vld [tilespmem:s9+$0xFFFFFF30];
	[tilespmem:s0+$0xFFFFFEC0] =	vst v2  }
0xb7: {  	[tilespmem:s0+$0xFFFFFED0] =	vst v4;
	v2 =	vshll.u32 v8, $0x10;
	v4 =	vand.u32 $0xFFFF0000, v8  }
0xb8: {  	v8 =	vld [tilespmem:s9+$0xFFFFFF70];
	[tilespmem:s0+$0xFFFFFF40] =	vst v6  }
0xb9: {  	[tilespmem:s0+$0xFFFFFF50] =	vst v7;
	v6 =	vshll.u32 v5, $0x10;
	v5 =	vand.u32 $0xFFFF0000, v5  }
0xba: {  	v7 =	vld [tilespmem:s9+$0xFFFFFFB0];
	[tilespmem:s0+$0xFFFFFFC0] =	vst v3  }
0xbb: {  	v3 =	vshll.u32 v11, $0x10;
	v11 =	vand.u32 $0xFFFF0000, v11;
	[tilespmem:s0+$0xFFFFFFD0] =	vst v10  }
0xbc: {  	v10 =	vld [tilespmem:s9+$0xFFFFFFF0];
	[tilespmem:s0+$0x40] =	vst v9  }
0xbd: {  	v9 =	vshll.u32 v8, $0x10;
	v8 =	vand.u32 $0xFFFF0000, v8;
	[tilespmem:s0+$0x50] =	vst v1  }
0xbe: {  	v1 =	vld [tilespmem:s9+$0x30];
	[tilespmem:s0+$0xC0] =	vst v2  }
0xbf: {  	v2 =	vshll.u32 v7, $0x10;
	v7 =	vand.u32 $0xFFFF0000, v7;
	[tilespmem:s0+$0xD0] =	vst v4  }
0xc0: {  	v4 =	vld [tilespmem:s9+$0x70];
	[tilespmem:s0+$0x140] =	vst v6  }
0xc1: {  	v6 =	vshll.u32 v10, $0x10;
	v10 =	vand.u32 $0xFFFF0000, v10;
	[tilespmem:s0+$0x150] =	vst v5  }
0xc2: {  	[tilespmem:s0+$0xFFFFFE60] =	vst v3;
	v12 =	vld [tilespmem:s9+$0xB0]  }
0xc3: {  	[tilespmem:s0+$0xFFFFFE70] =	vst v11;
	v11 =	vshll.u32 v1, $0x10;
	v1 =	vand.u32 $0xFFFF0000, v1  }
0xc4: {  	[tilespmem:s0+$0xFFFFFEE0] =	vst v9  }
0xc5: {  	[tilespmem:s0+$0xFFFFFEF0] =	vst v8;
	v3 =	vshll.u32 v4, $0x10;
	v4 =	vand.u32 $0xFFFF0000, v4  }
.Ltmp6:
0xc6: {  	[tilespmem:s0+$0xFFFFFF60] =	vst v2;
	(pc) =	sbr.rel @p2 .LBB2_4-.Ltmp6, $4  }
0xc7: {  	[tilespmem:s0+$0xFFFFFF70] =	vst v7;
	v5 =	vshll.u32 v12, $0x10;
	v2 =	vand.u32 $0xFFFF0000, v12  }
0xc8: {  	[tilespmem:s0+$0xFFFFFFE0] =	vst v6  }
0xc9: {  	[tilespmem:s0+$0xFFFFFFF0] =	vst v10  }
0xca: {  	s9 =	sadd.s32 $0x200, s9;
	[tilespmem:s0+$0x60] =	vst v11  }
0xcb: {  	[tilespmem:s0+$0x70] =	vst v1;
	p2 =	sne.s32 s31, $0xC  }
.Ltmp7:
0xcc: {  	[tilespmem:s0+$0xE0] =	vst v3;
	(pc) =	sbr.rel @!p2 .LBB2_6-.Ltmp7, $4  }
0xcd: {  	[tilespmem:s0+$0xF0] =	vst v4  }
0xce: {  	[tilespmem:s0+$0x160] =	vst v5  }
0xcf: {  	[tilespmem:s0+$0x170] =	vst v2  }
0xd0: {  	[tilespmem:s0+$0x1E0] =	vst v0  }
0xd1: {  	s0 =	smul.u32 $0x140, s7  }
0xd2: {  	s3 =	sor.u32 $0x1, s3  }
0xd3: {  	s8 =	smul.u32 $0x280, s31;
	p2 =	sgt.u32 s3, $0x18;
	s0 =	sshra.s32 s0, $0x2  }
.Ltmp8:
0xd4: {  	s9 =	sadd.s32 $0xA0, s0;
	(pc) =	sbr.rel @p2 .LBB2_11-.Ltmp8, $4  }
0xd5: {  	[tilespmem:s19], [sflag:$0x1] =	stream.indirect.gather [hbm4b:s5+s18], $0x40, s9, s18, $0xb8;
	[tilespmem:$0x1DF60] =	vst v63  }
0xd6: {  	s9 =	sshra.s32 s8, $0x2  }
0xd7: {  	s7 =	sadd.s32 $0x2710, s9  }
0xd8: {  	[spmem:s2] =	stream.indirect.scatter.add.f32 [tilespmem:s23], [sflag:$0x3], $0x80, s7, s18, $0xb8;
	[tilespmem:$0x1DF60] =	vst v63  }
0xd9: {  	_ =	swait.ge [sflag:s26], $0x1400  }
0xda: {  	[sflag:s26] =	ssyncset.done $0x0  }
0xdb: {  	s7 =	simm.s32 @!p1 $0x4;
	[sflag:s26] =	ssyncadd.s32 $0xFFFFEC00  }
0xdc: {  	_ =	swait.ge @!p1 [sflag:s7], $0x2800  }
0xdd: {  	[sflag:s7] =	ssyncset.done @!p1 $0x0  }
0xde: {  	s8 =	simm.s32 $0x43E0;
	[sflag:s7] =	ssyncadd.s32 @!p1 $0xFFFFD800  }
0xdf: {  	v0 =	vld [tilespmem:s8+$0xC0];
	_ =	sdelay $0x1  }
0xe0: {  	v1 =	vld [tilespmem:s8+$0xFFFFFF40];
	_ =	sdelay $0x1  }
0xe1: {  	v2 =	vld [tilespmem:s8+$0xFFFFFF80]  }
0xe2: {  	s7 =	simm.s32 $0x80E0;
	v3 =	vshll.u32 v0, $0x10  }
0xe3: {  	v4 =	vld [tilespmem:s8+$0xFFFFFFC0];
	v0 =	vand.u32 $0xFFFF0000, v0;
	[tilespmem:s7+$0x180] =	vst v3  }
0xe4: {  	v5 =	vld [tilespmem:s8+$0xFFFFFF00];
	v3 =	vshll.u32 v1, $0x10;
	[tilespmem:s7+$0x190] =	vst v0  }
0xe5: {  	v0 =	vand.u32 $0xFFFF0000, v1;
	[tilespmem:s7+$0xFFFFFE80] =	vst v3;
	v1 =	vld [tilespmem:s8+$0xD0]  }
0xe6: {  	v3 =	vshll.u32 v2, $0x10;
	[tilespmem:s7+$0xFFFFFE90] =	vst v0  }
0xe7: {  	v0 =	vand.u32 $0xFFFF0000, v2;
	[tilespmem:s7+$0xFFFFFF00] =	vst v3  }
0xe8: {  	v2 =	vshll.u32 v4, $0x10;
	[tilespmem:s7+$0xFFFFFF10] =	vst v0  }
0xe9: {  	v0 =	vld [tilespmem:s8+$0x0];
	v3 =	vshll.u32 v5, $0x10;
	[tilespmem:s7+$0xFFFFFF80] =	vst v2  }
0xea: {  	[tilespmem:s7+$0xFFFFFE00] =	vst v3;
	v2 =	vshll.u32 v1, $0x10  }
0xeb: {  	v3 =	vld [tilespmem:s8+$0x40];
	v1 =	vand.u32 $0xFFFF0000, v1;
	[tilespmem:s7+$0x1A0] =	vst v2  }
0xec: {  	v2 =	vand.u32 $0xFFFF0000, v5;
	[tilespmem:s7+$0x1B0] =	vst v1  }
0xed: {  	v1 =	vand.u32 $0xFFFF0000, v4;
	[tilespmem:s7+$0xFFFFFE10] =	vst v2;
	v2 =	vld [tilespmem:s8+$0xE0]  }
0xee: {  	v4 =	vshll.u32 v0, $0x10;
	[tilespmem:s7+$0xFFFFFF90] =	vst v1  }
0xef: {  	v0 =	vand.u32 $0xFFFF0000, v0;
	v1 =	vld [tilespmem:s8+$0x80];
	[tilespmem:s7+$0x0] =	vst v4  }
0xf0: {  	v4 =	vshll.u32 v3, $0x10;
	[tilespmem:s7+$0x10] =	vst v0  }
0xf1: {  	v0 =	vand.u32 $0xFFFF0000, v3;
	v3 =	vld [tilespmem:s8+$0xFFFFFF10];
	[tilespmem:s7+$0x80] =	vst v4  }
0xf2: {  	[tilespmem:s7+$0x90] =	vst v0;
	v0 =	vshll.u32 v2, $0x10  }
0xf3: {  	v4 =	vld [tilespmem:s8+$0xFFFFFF50];
	v2 =	vand.u32 $0xFFFF0000, v2;
	[tilespmem:s7+$0x1C0] =	vst v0  }
0xf4: {  	v0 =	vshll.u32 v1, $0x10;
	[tilespmem:s7+$0x1D0] =	vst v2  }
0xf5: {  	v1 =	vand.u32 $0xFFFF0000, v1;
	v2 =	vld [tilespmem:s8+$0xFFFFFF90];
	[tilespmem:s7+$0x100] =	vst v0  }
0xf6: {  	v5 =	vshll.u32 v3, $0x10;
	v0 =	vld [tilespmem:s8+$0xF0];
	[tilespmem:s7+$0x110] =	vst v1  }
0xf7: {  	v1 =	vand.u32 $0xFFFF0000, v3;
	[tilespmem:s7+$0xFFFFFE20] =	vst v5;
	v5 =	vld [tilespmem:s8+$0xFFFFFFD0]  }
0xf8: {  	v3 =	vshll.u32 v4, $0x10;
	[tilespmem:s7+$0xFFFFFE30] =	vst v1  }
0xf9: {  	v1 =	vand.u32 $0xFFFF0000, v4;
	[tilespmem:s7+$0xFFFFFEA0] =	vst v3;
	v3 =	vld [tilespmem:s8+$0x10]  }
0xfa: {  	[tilespmem:s7+$0xFFFFFEB0] =	vst v1;
	v4 =	vshll.u32 v2, $0x10  }
0xfb: {  	v1 =	vand.u32 $0xFFFF0000, v0;
	[tilespmem:s7+$0xFFFFFF20] =	vst v4  }
0xfc: {  	v4 =	vshll.u32 v5, $0x10;
	[tilespmem:s7+$0x1F0] =	vst v1;
	v1 =	vand.u32 $0xFFFF0000, v2;
	v2 =	vld [tilespmem:s8+$0x50]  }
0xfd: {  	[tilespmem:s7+$0xFFFFFFA0] =	vst v4  }
0xfe: {  	v4 =	vshll.u32 v3, $0x10;
	[tilespmem:s7+$0xFFFFFF30] =	vst v1;
	v1 =	vand.u32 $0xFFFF0000, v5;
	v5 =	vld [tilespmem:s8+$0x90]  }
0xff: {  	[tilespmem:s7+$0x20] =	vst v4  }
0x100: {  	[tilespmem:s7+$0xFFFFFFB0] =	vst v1;
	v1 =	vand.u32 $0xFFFF0000, v3;
	v3 =	vld [tilespmem:s8+$0xFFFFFF20]  }
0x101: {  	[tilespmem:s7+$0x30] =	vst v1;
	v4 =	vshll.u32 v2, $0x10  }
0x102: {  	v1 =	vand.u32 $0xFFFF0000, v2;
	v2 =	vld [tilespmem:s8+$0xFFFFFF60];
	[tilespmem:s7+$0xA0] =	vst v4  }
0x103: {  	v4 =	vshll.u32 v5, $0x10;
	[tilespmem:s7+$0xB0] =	vst v1  }
0x104: {  	v1 =	vand.u32 $0xFFFF0000, v5;
	v5 =	vld [tilespmem:s8+$0xFFFFFFA0];
	[tilespmem:s7+$0x120] =	vst v4  }
0x105: {  	v4 =	vshll.u32 v3, $0x10;
	[tilespmem:s7+$0x130] =	vst v1  }
0x106: {  	v1 =	vand.u32 $0xFFFF0000, v3;
	v3 =	vld [tilespmem:s8+$0xFFFFFFE0];
	[tilespmem:s7+$0xFFFFFE40] =	vst v4  }
0x107: {  	[tilespmem:s7+$0xFFFFFE50] =	vst v1;
	v4 =	vshll.u32 v2, $0x10  }
0x108: {  	v1 =	vand.u32 $0xFFFF0000, v2;
	v2 =	vld [tilespmem:s8+$0x20];
	[tilespmem:s7+$0xFFFFFEC0] =	vst v4  }
0x109: {  	v4 =	vshll.u32 v5, $0x10;
	[tilespmem:s7+$0xFFFFFED0] =	vst v1  }
0x10a: {  	v1 =	vand.u32 $0xFFFF0000, v5;
	v5 =	vld [tilespmem:s8+$0x60];
	[tilespmem:s7+$0xFFFFFF40] =	vst v4  }
0x10b: {  	v4 =	vshll.u32 v3, $0x10;
	[tilespmem:s7+$0xFFFFFF50] =	vst v1  }
0x10c: {  	v1 =	vand.u32 $0xFFFF0000, v3;
	v3 =	vld [tilespmem:s8+$0xA0];
	[tilespmem:s7+$0xFFFFFFC0] =	vst v4  }
0x10d: {  	[tilespmem:s7+$0xFFFFFFD0] =	vst v1;
	v4 =	vshll.u32 v2, $0x10  }
0x10e: {  	v1 =	vand.u32 $0xFFFF0000, v2;
	v2 =	vld [tilespmem:s8+$0xFFFFFF30];
	[tilespmem:s7+$0x40] =	vst v4  }
0x10f: {  	v4 =	vshll.u32 v5, $0x10;
	[tilespmem:s7+$0x50] =	vst v1  }
0x110: {  	v1 =	vand.u32 $0xFFFF0000, v5;
	v5 =	vld [tilespmem:s8+$0xFFFFFF70];
	[tilespmem:s7+$0xC0] =	vst v4  }
0x111: {  	v4 =	vshll.u32 v3, $0x10;
	[tilespmem:s7+$0xD0] =	vst v1  }
0x112: {  	v1 =	vand.u32 $0xFFFF0000, v3;
	v3 =	vld [tilespmem:s8+$0xFFFFFFB0];
	[tilespmem:s7+$0x140] =	vst v4  }
0x113: {  	[tilespmem:s7+$0x150] =	vst v1;
	v4 =	vshll.u32 v2, $0x10  }
0x114: {  	v6 =	vld [tilespmem:s8+$0x30];
	v1 =	vand.u32 $0xFFFF0000, v2;
	[tilespmem:s7+$0xFFFFFE60] =	vst v4  }
0x115: {  	v2 =	vld [tilespmem:s8+$0xFFFFFFF0];
	v4 =	vshll.u32 v5, $0x10;
	[tilespmem:s7+$0xFFFFFE70] =	vst v1  }
0x116: {  	v1 =	vand.u32 $0xFFFF0000, v5;
	v5 =	vld [tilespmem:s8+$0x70];
	[tilespmem:s7+$0xFFFFFEE0] =	vst v4  }
0x117: {  	v7 =	vld [tilespmem:s8+$0xB0];
	v4 =	vshll.u32 v3, $0x10;
	[tilespmem:s7+$0xFFFFFEF0] =	vst v1  }
0x118: {  	v1 =	vand.u32 $0xFFFF0000, v3;
	[tilespmem:s7+$0xFFFFFF60] =	vst v4  }
0x119: {  	v8 =	vshll.u32 v6, $0x10;
	[tilespmem:s7+$0xFFFFFF70] =	vst v1  }
0x11a: {  	v0 =	vshll.u32 v0, $0x10;
	[tilespmem:s7+$0x60] =	vst v8;
	v3 =	vshll.u32 v2, $0x10  }
0x11b: {  	v1 =	vand.u32 $0xFFFF0000, v2;
	v2 =	vand.u32 $0xFFFF0000, v6;
	[tilespmem:s7+$0xFFFFFFE0] =	vst v3;
	v3 =	vshll.u32 v5, $0x10  }
0x11c: {  	s9 =	simm.s32 $0x45E0;
	s8 =	simm.s32 $0x0;
	[tilespmem:s7+$0xFFFFFFF0] =	vst v1;
	v4 =	vand.u32 $0xFFFF0000, v5;
	v5 =	vshll.u32 v7, $0x10;
	v1 =	vand.u32 $0xFFFF0000, v7  }
.LBB2_9:
0x11d: {  	v6 =	vld [tilespmem:s9+$0xC0];
	[tilespmem:s7+$0x70] =	vst v2  }
0x11e: {  	v2 =	vld [tilespmem:s9+$0xFFFFFF40];
	[tilespmem:s7+$0xE0] =	vst v3  }
0x11f: {  	v3 =	vld [tilespmem:s9+$0xFFFFFF80];
	[tilespmem:s7+$0xF0] =	vst v4  }
0x120: {  	s8 =	sadd.s32 $0x8, s8;
	v4 =	vld [tilespmem:s9+$0xFFFFFFC0];
	[tilespmem:s7+$0x160] =	vst v5  }
0x121: {  	p1 =	slt.u32 s8, $0x48;
	v5 =	vld [tilespmem:s9+$0x0];
	[tilespmem:s7+$0x170] =	vst v1  }
0x122: {  	v1 =	vld [tilespmem:s9+$0x40];
	v7 =	vshll.u32 v6, $0x10;
	[tilespmem:s7+$0x1E0] =	vst v0;
	s7 =	sadd.s32 $0x400, s7  }
0x123: {  	v6 =	vand.u32 $0xFFFF0000, v6;
	v0 =	vshll.u32 v2, $0x10;
	v2 =	vand.u32 $0xFFFF0000, v2;
	v8 =	vld [tilespmem:s9+$0x80];
	[tilespmem:s7+$0x180] =	vst v7  }
0x124: {  	v7 =	vld [tilespmem:s9+$0xFFFFFF00];
	v9 =	vshll.u32 v3, $0x10;
	v3 =	vand.u32 $0xFFFF0000, v3;
	[tilespmem:s7+$0x190] =	vst v6  }
0x125: {  	[tilespmem:s7+$0xFFFFFE80] =	vst v0;
	v0 =	vshll.u32 v4, $0x10;
	v4 =	vand.u32 $0xFFFF0000, v4;
	v6 =	vld [tilespmem:s9+$0xD0]  }
0x126: {  	[tilespmem:s7+$0xFFFFFE90] =	vst v2;
	v2 =	vshll.u32 v5, $0x10;
	v5 =	vand.u32 $0xFFFF0000, v5  }
0x127: {  	v10 =	vld [tilespmem:s9+$0xFFFFFF50];
	[tilespmem:s7+$0xFFFFFF00] =	vst v9;
	v9 =	vshll.u32 v1, $0x10;
	v1 =	vand.u32 $0xFFFF0000, v1  }
0x128: {  	[tilespmem:s7+$0xFFFFFF10] =	vst v3;
	v3 =	vshll.u32 v8, $0x10;
	v8 =	vand.u32 $0xFFFF0000, v8  }
0x129: {  	v11 =	vshll.u32 v7, $0x10;
	v7 =	vand.u32 $0xFFFF0000, v7;
	v12 =	vld [tilespmem:s9+$0xFFFFFF90];
	[tilespmem:s7+$0xFFFFFF80] =	vst v0  }
0x12a: {  	[tilespmem:s7+$0xFFFFFE00] =	vst v11;
	v0 =	vshll.u32 v6, $0x10  }
0x12b: {  	v6 =	vand.u32 $0xFFFF0000, v6;
	[tilespmem:s7+$0x1A0] =	vst v0  }
0x12c: {  	v0 =	vshll.u32 v10, $0x10;
	v10 =	vand.u32 $0xFFFF0000, v10;
	[tilespmem:s7+$0x1B0] =	vst v6  }
0x12d: {  	[tilespmem:s7+$0xFFFFFE10] =	vst v7;
	v6 =	vld [tilespmem:s9+$0xE0]  }
0x12e: {  	v7 =	vld [tilespmem:s9+$0xFFFFFF10];
	v11 =	vshll.u32 v12, $0x10;
	v12 =	vand.u32 $0xFFFF0000, v12;
	[tilespmem:s7+$0xFFFFFF90] =	vst v4  }
0x12f: {  	v4 =	vld [tilespmem:s9+$0xFFFFFFD0];
	[tilespmem:s7+$0x0] =	vst v2  }
0x130: {  	[tilespmem:s7+$0x10] =	vst v5  }
0x131: {  	v2 =	vld [tilespmem:s9+$0x10];
	[tilespmem:s7+$0x80] =	vst v9  }
0x132: {  	[tilespmem:s7+$0x90] =	vst v1;
	v1 =	vshll.u32 v6, $0x10  }
0x133: {  	v6 =	vand.u32 $0xFFFF0000, v6;
	v5 =	vshll.u32 v7, $0x10;
	v7 =	vand.u32 $0xFFFF0000, v7;
	v9 =	vld [tilespmem:s9+$0x50];
	[tilespmem:s7+$0x1C0] =	vst v1  }
0x134: {  	v1 =	vshll.u32 v4, $0x10;
	v4 =	vand.u32 $0xFFFF0000, v4;
	[tilespmem:s7+$0x1D0] =	vst v6  }
0x135: {  	[tilespmem:s7+$0x100] =	vst v3;
	v3 =	vld [tilespmem:s9+$0xF0]  }
0x136: {  	v6 =	vshll.u32 v2, $0x10;
	v2 =	vand.u32 $0xFFFF0000, v2;
	[tilespmem:s7+$0x110] =	vst v8  }
0x137: {  	[tilespmem:s7+$0xFFFFFE20] =	vst v5;
	v5 =	vld [tilespmem:s9+$0x90]  }
0x138: {  	[tilespmem:s7+$0xFFFFFE30] =	vst v7;
	v7 =	vshll.u32 v9, $0x10;
	v8 =	vand.u32 $0xFFFF0000, v9  }
0x139: {  	v9 =	vld [tilespmem:s9+$0xFFFFFF20];
	[tilespmem:s7+$0xFFFFFEA0] =	vst v0  }
0x13a: {  	[tilespmem:s7+$0xFFFFFEB0] =	vst v10;
	v0 =	vshll.u32 v3, $0x10;
	v3 =	vand.u32 $0xFFFF0000, v3  }
0x13b: {  	v10 =	vld [tilespmem:s9+$0xFFFFFF60];
	[tilespmem:s7+$0x1F0] =	vst v3  }
0x13c: {  	[tilespmem:s7+$0xFFFFFF20] =	vst v11;
	v3 =	vshll.u32 v5, $0x10;
	v5 =	vand.u32 $0xFFFF0000, v5  }
0x13d: {  	[tilespmem:s7+$0xFFFFFF30] =	vst v12  }
0x13e: {  	v11 =	vshll.u32 v9, $0x10;
	v9 =	vand.u32 $0xFFFF0000, v9;
	v12 =	vld [tilespmem:s9+$0xFFFFFFA0];
	[tilespmem:s7+$0xFFFFFFA0] =	vst v1  }
0x13f: {  	[tilespmem:s7+$0xFFFFFFB0] =	vst v4  }
0x140: {  	v1 =	vshll.u32 v10, $0x10;
	v4 =	vand.u32 $0xFFFF0000, v10;
	v10 =	vld [tilespmem:s9+$0xFFFFFFE0];
	[tilespmem:s7+$0x20] =	vst v6  }
0x141: {  	[tilespmem:s7+$0x30] =	vst v2  }
0x142: {  	v2 =	vld [tilespmem:s9+$0x20];
	[tilespmem:s7+$0xA0] =	vst v7  }
0x143: {  	v6 =	vshll.u32 v12, $0x10;
	v7 =	vand.u32 $0xFFFF0000, v12;
	[tilespmem:s7+$0xB0] =	vst v8  }
0x144: {  	v8 =	vld [tilespmem:s9+$0x60];
	[tilespmem:s7+$0x120] =	vst v3  }
0x145: {  	v3 =	vshll.u32 v10, $0x10;
	v10 =	vand.u32 $0xFFFF0000, v10;
	[tilespmem:s7+$0x130] =	vst v5  }
0x146: {  	[tilespmem:s7+$0xFFFFFE40] =	vst v11;
	v5 =	vld [tilespmem:s9+$0xA0]  }
0x147: {  	[tilespmem:s7+$0xFFFFFE50] =	vst v9;
	v9 =	vshll.u32 v2, $0x10;
	v2 =	vand.u32 $0xFFFF0000, v2  }
0x148: {  	v11 =	vld [tilespmem:s9+$0xFFFFFF30];
	[tilespmem:s7+$0xFFFFFEC0] =	vst v1  }
0x149: {  	[tilespmem:s7+$0xFFFFFED0] =	vst v4;
	v1 =	vshll.u32 v8, $0x10;
	v4 =	vand.u32 $0xFFFF0000, v8  }
0x14a: {  	v8 =	vld [tilespmem:s9+$0xFFFFFF70];
	[tilespmem:s7+$0xFFFFFF40] =	vst v6  }
0x14b: {  	[tilespmem:s7+$0xFFFFFF50] =	vst v7;
	v6 =	vshll.u32 v5, $0x10;
	v5 =	vand.u32 $0xFFFF0000, v5  }
0x14c: {  	v7 =	vld [tilespmem:s9+$0xFFFFFFB0];
	[tilespmem:s7+$0xFFFFFFC0] =	vst v3  }
0x14d: {  	v3 =	vshll.u32 v11, $0x10;
	v11 =	vand.u32 $0xFFFF0000, v11;
	[tilespmem:s7+$0xFFFFFFD0] =	vst v10  }
0x14e: {  	v10 =	vld [tilespmem:s9+$0xFFFFFFF0];
	[tilespmem:s7+$0x40] =	vst v9  }
0x14f: {  	v9 =	vshll.u32 v8, $0x10;
	v8 =	vand.u32 $0xFFFF0000, v8;
	[tilespmem:s7+$0x50] =	vst v2  }
0x150: {  	v2 =	vld [tilespmem:s9+$0x30];
	[tilespmem:s7+$0xC0] =	vst v1  }
0x151: {  	v1 =	vshll.u32 v7, $0x10;
	v7 =	vand.u32 $0xFFFF0000, v7;
	[tilespmem:s7+$0xD0] =	vst v4  }
0x152: {  	v4 =	vld [tilespmem:s9+$0x70];
	[tilespmem:s7+$0x140] =	vst v6  }
0x153: {  	v6 =	vshll.u32 v10, $0x10;
	v10 =	vand.u32 $0xFFFF0000, v10;
	[tilespmem:s7+$0x150] =	vst v5  }
0x154: {  	[tilespmem:s7+$0xFFFFFE60] =	vst v3;
	v12 =	vld [tilespmem:s9+$0xB0]  }
0x155: {  	[tilespmem:s7+$0xFFFFFE70] =	vst v11;
	v11 =	vshll.u32 v2, $0x10;
	v2 =	vand.u32 $0xFFFF0000, v2  }
0x156: {  	[tilespmem:s7+$0xFFFFFEE0] =	vst v9  }
0x157: {  	[tilespmem:s7+$0xFFFFFEF0] =	vst v8;
	v3 =	vshll.u32 v4, $0x10;
	v4 =	vand.u32 $0xFFFF0000, v4  }
.Ltmp9:
0x158: {  	[tilespmem:s7+$0xFFFFFF60] =	vst v1;
	(pc) =	sbr.rel @p1 .LBB2_9-.Ltmp9, $4  }
0x159: {  	[tilespmem:s7+$0xFFFFFF70] =	vst v7;
	v5 =	vshll.u32 v12, $0x10;
	v1 =	vand.u32 $0xFFFF0000, v12  }
0x15a: {  	[tilespmem:s7+$0xFFFFFFE0] =	vst v6  }
0x15b: {  	[tilespmem:s7+$0xFFFFFFF0] =	vst v10  }
0x15c: {  	s9 =	sadd.s32 $0x200, s9;
	[tilespmem:s7+$0x60] =	vst v11  }
0x15d: {  	[tilespmem:s7+$0x70] =	vst v2  }
0x15e: {  	[tilespmem:s7+$0xE0] =	vst v3  }
0x15f: {  	[tilespmem:s7+$0xF0] =	vst v4  }
0x160: {  	[tilespmem:s7+$0x160] =	vst v5;
	p1 =	sgt.u32 s31, $0xA  }
0x161: {  	[tilespmem:s7+$0x170] =	vst v1;
	s3 =	smul.u32 $0x140, s3;
	s0 =	sadd.s32 @!p1 $0xF0, s0  }
.Ltmp10:
0x162: {  	[tilespmem:s7+$0x1E0] =	vst v0;
	s7 =	simm.s32 @!p1 $0x50;
	s8 =	simm.s32 @!p1 $0x42E0;
	(pc) =	sbr.rel .LBB2_11-.Ltmp10, $4  }
0x163: {  	[tilespmem:s8], [sflag:$0x2] =	stream.indirect.gather @!p1 [hbm4b:s5+s7], $0x40, s0, s7, $0xb8;
	[tilespmem:$0x1DF60] =	vst v63  }
0x164: {  	s9 =	sshra.s32 s3, $0x2  }
0x165: {  	s0 =	sadd.s32 $0x2710, s9  }
0x166: {  	[spmem:s2] =	stream.indirect.scatter.add.f32 [tilespmem:s28], [sflag:$0x4], $0x80, s0, s18, $0xb8;
	[tilespmem:$0x1DF60] =	vst v63  }
.LBB2_14:
0x167: {  	_ =	sfence.sel $0x180000  }
0x168: {  	[bflag:$0x0] =	sbarrier.arrive $0xFFFF  }
0x169: {  	_ =	strace $0x90000047  }
0x16a: {  	s0 =	stileid.u32;
	[bflag:$0x2] =	sbarrier.arrive $0xFFFF  }
0x16b: {  	p0 =	sne.s32 s0, $0x0;
	s0 =	rddreg [dreg:$0x3]  }
0x16c: {  	s0 =	sadd.s32 @!p0 $0x100000, s0  }
0x16d: {  	[sflag:s0] =	ssyncadd.tile.s32 @!p0 $0x1;
	_ =	shalt  }
.Lfunc_end2:
_tile_overlayer_lowered:
.L_overlay_start_2:
0x16e: {  	(tag) =	ssettag $0x2  }
0x16f: {  	s0 =	rddreg [dreg:$0x0];
	s2 =	stileid.u32  }
0x170: {  	s1 =	rddreg [dreg:$0x1];
	p0 =	sne.s32 s2, $0x0  }
0x171: {  	s3 =	rddreg [dreg:$0x2];
	[bflag:$0x3] =	sbarrier.arrive $0xFFFF;
	s2 =	simm.s32 @!p0 $0x1C05  }
0x172: {  	[timem:s3], [sflag:s2] =	dma.local @!p0 [hbm:s0], s1  }
0x173: {  	s0 =	simm.s32 @!p0 $0x5  }
0x174: {  	_ =	swait.ge @!p0 [sflag:s0], s1  }
0x175: {  	s1 =	ssub.s32 @!p0 $0x0, s1;
	[sflag:s0] =	ssyncset.done @!p0 $0x0  }
0x176: {  	[sflag:s0] =	ssyncadd.s32 @!p0 s1  }
0x177: {  	[bflag:$0x3] =	sbarrier.arrive $0xFFFF  }
0x178: {  	_ =	shalt  }

</sc_bundles>
